<compile_context>
chip_gen: v7x
topology: tpu7x:2x2x1
jax: 0.10.2.dev20260603
libtpu: 0.0.44.dev20260713+nightly
codegen_flags: <defaults>
</compile_context>

<pallas_src>
import functools

import jax
import jax.numpy as jnp
from jax import lax
from jax.experimental import pallas as pl
from jax.experimental.pallas import tpu as pltpu
from jax.experimental.pallas import tpu_sc as plsc

_N = 8192
_D = 768
_H = 256
_K = 32
_NBLK = 4
_BLK = _N // _NBLK
_RPB = _BLK // 128

_HI = lax.Precision.HIGHEST


def _topk_body(c_ref, wq_ref, bq_ref, wk_ref, e_ref, sc_ref, ix_ref,
               buf0, buf1, logits_s, sem0, sem1):
    bufs = [buf0, buf1]
    sems = [sem0, sem1]
    half = _BLK // 2

    def stream_in_start(j):
        base = j * _BLK
        b = bufs[j % 2]
        s = sems[j % 2]
        pltpu.make_async_copy(e_ref.at[pl.ds(base, half)],
                              b.at[pl.ds(0, half)], s).start()
        pltpu.make_async_copy(e_ref.at[pl.ds(base + half, half)],
                              b.at[pl.ds(half, half)], s).start()

    def stream_in_wait(j):
        b = bufs[j % 2]
        s = sems[j % 2]
        pltpu.make_async_copy(e_ref.at[pl.ds(0, half)],
                              b.at[pl.ds(0, half)], s).wait()
        pltpu.make_async_copy(e_ref.at[pl.ds(0, half)],
                              b.at[pl.ds(half, half)], s).wait()

    stream_in_start(0)
    stream_in_start(1)

    q = jnp.dot(c_ref[...], wq_ref[...], preferred_element_type=jnp.float32,
                precision=_HI) + bq_ref[...]
    w = lax.dot_general(q, wk_ref[...], (((1,), (1,)), ((), ())),
                        preferred_element_type=jnp.float32,
                        precision=_HI)

    w3 = w.reshape(1, 1, _D)
    for j in range(_NBLK):
        stream_in_wait(j)
        b3 = bufs[j % 2][...].reshape(_RPB, 128, _D)
        r = jnp.sum(b3 * w3, axis=2) * 0.0625
        logits_s[pl.ds(j * _RPB, _RPB), :] = r
        if j + 2 < _NBLK:
            stream_in_start(j + 2)

    nchunk = (_N // 128) // 8
    l = logits_s[...].reshape(nchunk, 8, 128)
    m = jnp.max(l)
    work = jnp.exp(l - m)
    zinv = 1.0 / jnp.sum(work)

    big = jnp.int32(2 ** 30)
    flat3 = (lax.broadcasted_iota(jnp.int32, (nchunk, 8, 128), 0) * 1024 +
             lax.broadcasted_iota(jnp.int32, (nchunk, 8, 128), 1) * 128 +
             lax.broadcasted_iota(jnp.int32, (nchunk, 8, 128), 2))

    lane32 = lax.broadcasted_iota(jnp.int32, (1, _K), 1)
    sc_v = jnp.zeros((1, _K), jnp.float32)
    ix_v = jnp.zeros((1, _K), jnp.int32)
    for j in range(_K):
        pj = jnp.max(jnp.max(work, axis=0))
        mask = work == pj
        ij = jnp.min(jnp.where(mask, flat3, big))
        sc_v = jnp.where(lane32 == j, pj * zinv, sc_v)
        ix_v = jnp.where(lane32 == j, ij, ix_v)
        work = jnp.where(mask, 0.0, work)
    sc_ref[...] = sc_v
    ix_ref[...] = ix_v


def _gather_wsum_sc(ix_hbm, e_hbm, rows_hbm, idx_v, rows_v, sem):
    cid = lax.axis_index("c")
    sid = lax.axis_index("s")

    @pl.when(jnp.logical_and(cid == 0, sid < 4))
    def _work():
        w = sid
        pltpu.sync_copy(ix_hbm.at[pl.ds(w * 8, 8)], idx_v)
        pltpu.async_copy(e_hbm.at[idx_v], rows_v, sem).wait()
        pltpu.sync_copy(rows_v, rows_hbm.at[pl.ds(w * 8, 8)])


def _proj_body(rows_ref, sc_ref, wv_ref, bv_ref, wo_ref, bo_ref, out_ref):
    s = sc_ref[...]
    u = jnp.dot(s, rows_ref[...], preferred_element_type=jnp.float32,
                precision=_HI)
    s_sum = jnp.sum(s)
    hv = jnp.dot(u, wv_ref[...],
                 preferred_element_type=jnp.float32) + s_sum * bv_ref[...]
    out = jnp.dot(hv, wo_ref[...],
                  preferred_element_type=jnp.float32) + bo_ref[...]
    out_ref[...] = out


def kernel(class_embedding, entity_embeddings, Wq, bq, Wk, bk, Wv, bv, Wo, bo):
    del bk
    c2 = class_embedding.reshape(1, _D)
    vm = pl.BlockSpec(memory_space=pltpu.VMEM)

    scores, idx = pl.pallas_call(
        _topk_body,
        in_specs=[vm, vm, vm, vm, pl.BlockSpec(memory_space=pl.ANY)],
        out_specs=(vm, vm),
        out_shape=(jax.ShapeDtypeStruct((1, _K), jnp.float32),
                   jax.ShapeDtypeStruct((1, _K), jnp.int32)),
        scratch_shapes=[
            pltpu.VMEM((_BLK, _D), jnp.float32),
            pltpu.VMEM((_BLK, _D), jnp.float32),
            pltpu.VMEM((_N // 128, 128), jnp.float32),
            pltpu.SemaphoreType.DMA,
            pltpu.SemaphoreType.DMA,
        ],
    )(c2, Wq, bq.reshape(1, _H), Wk, entity_embeddings)

    sc_kernel = pl.kernel(
        _gather_wsum_sc,
        out_type=jax.ShapeDtypeStruct((_K, _D), jnp.float32),
        mesh=plsc.VectorSubcoreMesh(core_axis_name="c", subcore_axis_name="s"),
        scratch_types=[
            pltpu.VMEM((8,), jnp.int32),
            pltpu.VMEM((8, _D), jnp.float32),
            pltpu.SemaphoreType.DMA,
        ],
    )
    rows = sc_kernel(idx.reshape(_K), entity_embeddings)

    out = pl.pallas_call(
        _proj_body,
        in_specs=[vm, vm, vm, vm, vm, vm],
        out_specs=vm,
        out_shape=jax.ShapeDtypeStruct((1, _D), jnp.float32),
    )(rows, scores, Wv, bv.reshape(1, _H), Wo, bo.reshape(1, _D))

    return out.reshape(_D)

# --- scband reference (transcript-rebuilt; emitter-appended) ---
"""Pipeline reference for scband-evgnetwork-18159121728072 (READ-ONLY COPY).

The authoritative reference and input builder live on the scoring server;
editing this copy changes nothing except your own understanding.
"""

import jax, jax.numpy as jnp
import numpy as np

D = 768      # input_dim
H = 256      # hidden_dim
O = 768      # output_dim
N = 8192     # num entities
TOP_K = 32


def setup_inputs(seed: int = 0) -> dict:
    key = jax.random.key(seed)
    ks = jax.random.split(key, 10)
    def lin(k, fan_in, fan_out):
        kw, kb = jax.random.split(k)
        bound = 1.0 / np.sqrt(fan_in)
        W = jax.random.uniform(kw, (fan_in, fan_out), jnp.float32, -bound, bound)
        b = jax.random.uniform(kb, (fan_out,), jnp.float32, -bound, bound)
        return W, b
    Wq, bq = lin(ks[0], D, H)
    Wk, bk = lin(ks[1], D, H)
    Wv, bv = lin(ks[2], D, H)
    Wo, bo = lin(ks[3], H, O)
    class_embedding = jax.random.normal(ks[4], (D,), jnp.float32)
    entity_embeddings = jax.random.normal(ks[5], (N, D), jnp.float32)
    return {
        'class_embedding': class_embedding,
        'entity_embeddings': entity_embeddings,
        'Wq': Wq, 'bq': bq,
        'Wk': Wk, 'bk': bk,
        'Wv': Wv, 'bv': bv,
        'Wo': Wo, 'bo': bo,
    }


def reference(class_embedding, entity_embeddings, Wq, bq, Wk, bk, Wv, bv, Wo, bo):
    hidden_dim = H
    Q = (class_embedding @ Wq + bq)[None, :]          # (1, H)
    K = entity_embeddings @ Wk + bk                   # (N, H)
    V = entity_embeddings @ Wv + bv                   # (N, H)
    attn_logits = (Q @ K.T) / (hidden_dim ** 0.5)     # (1, N)
    attn_scores = jax.nn.softmax(attn_logits, axis=-1)
    k = min(TOP_K, attn_scores.shape[-1])
    topk_scores, topk_indices = jax.lax.top_k(attn_scores, k)  # (1, k)
    topk_indices = topk_indices[0]                    # (k,)
    topk_scores = topk_scores[0]                      # (k,)
    topk_values = V[topk_indices]                     # (k, H) gather
    weighted_sum = jnp.sum(topk_values * topk_scores[:, None], axis=0)  # (H,)
    final_vector = weighted_sum @ Wo + bo             # (O,)
    return final_vector

if __name__ == "__main__":
    import jax
    _d = setup_inputs()
    print(jax.jit(kernel)(*tuple(_d.values())))

</pallas_src>

<mosaic_0001>
#map = affine_map<(d0, d1) -> (0)>
#map1 = affine_map<(d0, d1) -> (0, 0)>
module attributes {stable_mosaic.version = 14 : i64} {
  func.func @_gather_wsum_sc(%arg0: i32, %arg1: i32, %arg2: memref<32xi32, #tpu.memory_space<hbm>>, %arg3: memref<8192x768xf32, #tpu.memory_space<hbm>>, %arg4: memref<32x768xf32, #tpu.memory_space<hbm>>, %arg5: memref<8xi32, #tpu.memory_space<vmem>>, %arg6: memref<8x768xf32, #tpu.memory_space<vmem>>, %arg7: memref<!tpu.dma_semaphore, #tpu.memory_space<semaphore_mem>>) attributes {dimension_semantics = [#tpu.dimension_semantics<core_parallel>, #tpu.dimension_semantics<subcore_parallel>], iteration_bounds = array<i64: 2, 16>, scalar_prefetch = 0 : i64, scratch_operands = 3 : i64, tpu.core_type = #tpu.core_type<sc_vector_subcore>, window_params = [{transform_indices = #map}, {transform_indices = #map1}, {transform_indices = #map1}]} {
    %eq3A = arith.constant 0 : i32
    %eq3A_0 = arith.cmpi eq, %arg0, %eq3A : i32
    %lt3A = arith.constant 4 : i32
    %lt3A_1 = arith.cmpi slt, %arg1, %lt3A : i32
    %and3A = arith.andi %eq3A_0, %lt3A_1 : i1
    %convert_element_type3A = arith.extui %and3A : i1 to i32
    %cond3A = arith.constant 0 : i32
    %cond3A_2 = arith.cmpi ne, %convert_element_type3A, %cond3A : i32
    scf.if %cond3A_2 {
      %mul3A = arith.constant 8 : i32
      %mul3A_3 = arith.muli %arg1, %mul3A : i32
      "tpu.region"() ({
        %run_scoped3A = tpu.sem_alloc : memref<!tpu.dma_semaphore, #tpu.memory_space<semaphore_mem>>
        %dma_start3A_10 = tpu.memref_slice %arg2[%mul3A_3] : memref<32xi32, #tpu.memory_space<hbm>> -> memref<8xi32, #tpu.memory_space<hbm>>
        %dma_start3A_11 = tpu.memref_slice %arg2[%mul3A_3] : memref<32xi32, #tpu.memory_space<hbm>> -> memref<8xi32, #tpu.memory_space<hbm>>
        tpu.enqueue_dma source(%dma_start3A_11 : memref<8xi32, #tpu.memory_space<hbm>>) target(%arg5 : memref<8xi32, #tpu.memory_space<vmem>>) target_semaphore(%run_scoped3A : memref<!tpu.dma_semaphore, #tpu.memory_space<semaphore_mem>>)
        %dma_wait3A_12 = tpu.memref_slice %arg2[%mul3A_3] : memref<32xi32, #tpu.memory_space<hbm>> -> memref<8xi32, #tpu.memory_space<hbm>>
        %dma_wait3A_13 = tpu.memref_slice %arg2[%mul3A_3] : memref<32xi32, #tpu.memory_space<hbm>> -> memref<8xi32, #tpu.memory_space<hbm>>
        tpu.wait_dma2 semaphore(%run_scoped3A : memref<!tpu.dma_semaphore, #tpu.memory_space<semaphore_mem>>) src(%dma_wait3A_13 : memref<8xi32, #tpu.memory_space<hbm>>) dst(%arg5 : memref<8xi32, #tpu.memory_space<vmem>>)
        tpu.yield
      }) : () -> ()
      %dma_start3A = arith.constant 0 : i32
      %dma_start3A_4 = arith.constant 0 : i32
      %dma_start3A_5 = tpu.memref_slice %arg3[%dma_start3A, %dma_start3A_4] : memref<8192x768xf32, #tpu.memory_space<hbm>> -> memref<8192x768xf32, #tpu.memory_space<hbm>>
      tpu.enqueue_indirect_dma source(%dma_start3A_5 : memref<8192x768xf32, #tpu.memory_space<hbm>>) target(%arg6 : memref<8x768xf32, #tpu.memory_space<vmem>>) offsets(%arg5 : memref<8xi32, #tpu.memory_space<vmem>>) semaphore(%arg7 : memref<!tpu.dma_semaphore, #tpu.memory_space<semaphore_mem>>)
      %dma_wait3A = arith.constant 0 : i32
      %dma_wait3A_6 = arith.constant 0 : i32
      %dma_wait3A_7 = tpu.memref_slice %arg3[%dma_wait3A, %dma_wait3A_6] : memref<8192x768xf32, #tpu.memory_space<hbm>> -> memref<8192x768xf32, #tpu.memory_space<hbm>>
      tpu.wait_indirect_dma semaphore(%arg7 : memref<!tpu.dma_semaphore, #tpu.memory_space<semaphore_mem>>) src(%dma_wait3A_7 : memref<8192x768xf32, #tpu.memory_space<hbm>>) dst(%arg6 : memref<8x768xf32, #tpu.memory_space<vmem>>)
      %mul3A_8 = arith.constant 8 : i32
      %mul3A_9 = arith.muli %arg1, %mul3A_8 : i32
      "tpu.region"() ({
        %run_scoped3A = tpu.sem_alloc : memref<!tpu.dma_semaphore, #tpu.memory_space<semaphore_mem>>
        %dma_start3A_10 = arith.constant 0 : i32
        %dma_start3A_11 = tpu.memref_slice %arg4[%mul3A_9, %dma_start3A_10] : memref<32x768xf32, #tpu.memory_space<hbm>> -> memref<8x768xf32, #tpu.memory_space<hbm>>
        %dma_start3A_12 = arith.constant 0 : i32
        %dma_start3A_13 = tpu.memref_slice %arg4[%mul3A_9, %dma_start3A_12] : memref<32x768xf32, #tpu.memory_space<hbm>> -> memref<8x768xf32, #tpu.memory_space<hbm>>
        tpu.enqueue_dma source(%arg6 : memref<8x768xf32, #tpu.memory_space<vmem>>) target(%dma_start3A_13 : memref<8x768xf32, #tpu.memory_space<hbm>>) target_semaphore(%run_scoped3A : memref<!tpu.dma_semaphore, #tpu.memory_space<semaphore_mem>>)
        %dma_wait3A_14 = arith.constant 0 : i32
        %dma_wait3A_15 = tpu.memref_slice %arg4[%mul3A_9, %dma_wait3A_14] : memref<32x768xf32, #tpu.memory_space<hbm>> -> memref<8x768xf32, #tpu.memory_space<hbm>>
        %dma_wait3A_16 = arith.constant 0 : i32
        %dma_wait3A_17 = tpu.memref_slice %arg4[%mul3A_9, %dma_wait3A_16] : memref<32x768xf32, #tpu.memory_space<hbm>> -> memref<8x768xf32, #tpu.memory_space<hbm>>
        tpu.wait_dma2 semaphore(%run_scoped3A : memref<!tpu.dma_semaphore, #tpu.memory_space<semaphore_mem>>) src(%arg6 : memref<8x768xf32, #tpu.memory_space<vmem>>) dst(%dma_wait3A_17 : memref<8x768xf32, #tpu.memory_space<hbm>>)
        tpu.yield
      }) : () -> ()
    } else {
    }
    return
  }
}

module attributes {stable_mosaic.version = 14 : i64} {
  func.func @_proj_body(%arg0: memref<32x768xf32, #tpu.memory_space<vmem>>, %arg1: memref<1x32xf32, #tpu.memory_space<vmem>>, %arg2: memref<768x256xf32, #tpu.memory_space<vmem>>, %arg3: memref<1x256xf32, #tpu.memory_space<vmem>>, %arg4: memref<256x768xf32, #tpu.memory_space<vmem>>, %arg5: memref<1x768xf32, #tpu.memory_space<vmem>>, %arg6: memref<1x768xf32, #tpu.memory_space<vmem>>) attributes {dimension_semantics = [], scalar_prefetch = 0 : i64, scratch_operands = 0 : i64, tpu.core_type = #tpu.core_type<tc>} {
    %get3A = arith.constant 0 : index
    %get3A_0 = arith.constant 0 : index
    %get3A_1 = vector.load %arg1[%get3A, %get3A_0] : memref<1x32xf32, #tpu.memory_space<vmem>>, vector<1x32xf32>
    %get3A_2 = arith.constant 0 : index
    %get3A_3 = arith.constant 0 : index
    %get3A_4 = vector.load %arg0[%get3A_2, %get3A_3] : memref<32x768xf32, #tpu.memory_space<vmem>>, vector<32x768xf32>
    %dot_general3A = arith.constant dense<0.000000e+00> : vector<1x768xf32>
    %dot_general3A_5 = tpu.matmul %get3A_1, %get3A_4, %dot_general3A {dimension_numbers = #tpu.dot_dimension_numbers<[1], [0], [0], [1], [0, 0, 1, 1], [], []>, precision = #tpu.contract_precision<fp32>, transpose_lhs_hint = false} : vector<1x32xf32>, vector<32x768xf32>, vector<1x768xf32> -> vector<1x768xf32>
    %reduce_sum3A = vector.shape_cast %get3A_1 : vector<1x32xf32> to vector<1x1x32xf32>
    %reduce_sum3A_6 = arith.constant dense<0.000000e+00> : vector<1xf32>
    %reduce_sum3A_7 = vector.multi_reduction <add>, %reduce_sum3A, %reduce_sum3A_6 [1, 2] : vector<1x1x32xf32> to vector<1xf32>
    %reduce_sum3A_8 = vector.shape_cast %reduce_sum3A_7 : vector<1xf32> to vector<1x1x1xf32>
    %reduce_sum3A_9 = vector.extract %reduce_sum3A_8[0, 0, 0] : f32 from vector<1x1x1xf32>
    %get3A_10 = arith.constant 0 : index
    %get3A_11 = arith.constant 0 : index
    %get3A_12 = vector.load %arg2[%get3A_10, %get3A_11] : memref<768x256xf32, #tpu.memory_space<vmem>>, vector<768x256xf32>
    %dot_general3A_13 = arith.constant dense<0.000000e+00> : vector<1x256xf32>
    %dot_general3A_14 = tpu.matmul %dot_general3A_5, %get3A_12, %dot_general3A_13 {dimension_numbers = #tpu.dot_dimension_numbers<[1], [0], [0], [1], [0, 0, 1, 1], [], []>, transpose_lhs_hint = false} : vector<1x768xf32>, vector<768x256xf32>, vector<1x256xf32> -> vector<1x256xf32>
    %get3A_15 = arith.constant 0 : index
    %get3A_16 = arith.constant 0 : index
    %get3A_17 = vector.load %arg3[%get3A_15, %get3A_16] : memref<1x256xf32, #tpu.memory_space<vmem>>, vector<1x256xf32>
    %mul3A = vector.broadcast %reduce_sum3A_9 : f32 to vector<1x256xf32>
    %mul3A_18 = arith.mulf %mul3A, %get3A_17 : vector<1x256xf32>
    %add3A = arith.addf %dot_general3A_14, %mul3A_18 : vector<1x256xf32>
    %get3A_19 = arith.constant 0 : index
    %get3A_20 = arith.constant 0 : index
    %get3A_21 = vector.load %arg4[%get3A_19, %get3A_20] : memref<256x768xf32, #tpu.memory_space<vmem>>, vector<256x768xf32>
    %dot_general3A_22 = arith.constant dense<0.000000e+00> : vector<1x768xf32>
    %dot_general3A_23 = tpu.matmul %add3A, %get3A_21, %dot_general3A_22 {dimension_numbers = #tpu.dot_dimension_numbers<[1], [0], [0], [1], [0, 0, 1, 1], [], []>, transpose_lhs_hint = false} : vector<1x256xf32>, vector<256x768xf32>, vector<1x768xf32> -> vector<1x768xf32>
    %get3A_24 = arith.constant 0 : index
    %get3A_25 = arith.constant 0 : index
    %get3A_26 = vector.load %arg5[%get3A_24, %get3A_25] : memref<1x768xf32, #tpu.memory_space<vmem>>, vector<1x768xf32>
    %add3A_27 = arith.addf %dot_general3A_23, %get3A_26 : vector<1x768xf32>
    %swap3A = arith.constant 0 : index
    %swap3A_28 = arith.constant 0 : index
    %swap3A_29 = vector.load %arg6[%swap3A, %swap3A_28] : memref<1x768xf32, #tpu.memory_space<vmem>>, vector<1x768xf32>
    tpu.vector_store %arg6[%swap3A, %swap3A_28], %add3A_27 {strides = array<i32>} : memref<1x768xf32, #tpu.memory_space<vmem>>, vector<1x768xf32>,
    return
  }
}

module attributes {stable_mosaic.version = 14 : i64} {
  func.func @_topk_body(%arg0: memref<1x768xf32, #tpu.memory_space<vmem>>, %arg1: memref<768x256xf32, #tpu.memory_space<vmem>>, %arg2: memref<1x256xf32, #tpu.memory_space<vmem>>, %arg3: memref<768x256xf32, #tpu.memory_space<vmem>>, %arg4: memref<8192x768xf32, #tpu.memory_space<any>>, %arg5: memref<1x32xf32, #tpu.memory_space<vmem>>, %arg6: memref<1x32xi32, #tpu.memory_space<vmem>>, %arg7: memref<2048x768xf32, #tpu.memory_space<vmem>>, %arg8: memref<2048x768xf32, #tpu.memory_space<vmem>>, %arg9: memref<64x128xf32, #tpu.memory_space<vmem>>, %arg10: memref<!tpu.dma_semaphore, #tpu.memory_space<semaphore_mem>>, %arg11: memref<!tpu.dma_semaphore, #tpu.memory_space<semaphore_mem>>) attributes {dimension_semantics = [], scalar_prefetch = 0 : i64, scratch_operands = 5 : i64, tpu.core_type = #tpu.core_type<tc>} {
    %dma_start3A = arith.constant 0 : i32
    %dma_start3A_0 = arith.constant 0 : i32
    %dma_start3A_1 = tpu.memref_slice %arg7[%dma_start3A, %dma_start3A_0] : memref<2048x768xf32, #tpu.memory_space<vmem>> -> memref<1024x768xf32, #tpu.memory_space<vmem>>
    %dma_start3A_2 = arith.constant 0 : i32
    %dma_start3A_3 = arith.constant 0 : i32
    %dma_start3A_4 = tpu.memref_slice %arg4[%dma_start3A_2, %dma_start3A_3] : memref<8192x768xf32, #tpu.memory_space<any>> -> memref<1024x768xf32, #tpu.memory_space<any>>
    tpu.enqueue_dma source(%dma_start3A_4 : memref<1024x768xf32, #tpu.memory_space<any>>) target(%dma_start3A_1 : memref<1024x768xf32, #tpu.memory_space<vmem>>) target_semaphore(%arg10 : memref<!tpu.dma_semaphore, #tpu.memory_space<semaphore_mem>>)
    %dma_start3A_5 = arith.constant 1024 : i32
    %dma_start3A_6 = arith.constant 0 : i32
    %dma_start3A_7 = tpu.memref_slice %arg7[%dma_start3A_5, %dma_start3A_6] : memref<2048x768xf32, #tpu.memory_space<vmem>> -> memref<1024x768xf32, #tpu.memory_space<vmem>>
    %dma_start3A_8 = arith.constant 1024 : i32
    %dma_start3A_9 = arith.constant 0 : i32
    %dma_start3A_10 = tpu.memref_slice %arg4[%dma_start3A_8, %dma_start3A_9] : memref<8192x768xf32, #tpu.memory_space<any>> -> memref<1024x768xf32, #tpu.memory_space<any>>
    tpu.enqueue_dma source(%dma_start3A_10 : memref<1024x768xf32, #tpu.memory_space<any>>) target(%dma_start3A_7 : memref<1024x768xf32, #tpu.memory_space<vmem>>) target_semaphore(%arg10 : memref<!tpu.dma_semaphore, #tpu.memory_space<semaphore_mem>>)
    %dma_start3A_11 = arith.constant 0 : i32
    %dma_start3A_12 = arith.constant 0 : i32
    %dma_start3A_13 = tpu.memref_slice %arg8[%dma_start3A_11, %dma_start3A_12] : memref<2048x768xf32, #tpu.memory_space<vmem>> -> memref<1024x768xf32, #tpu.memory_space<vmem>>
    %dma_start3A_14 = arith.constant 2048 : i32
    %dma_start3A_15 = arith.constant 0 : i32
    %dma_start3A_16 = tpu.memref_slice %arg4[%dma_start3A_14, %dma_start3A_15] : memref<8192x768xf32, #tpu.memory_space<any>> -> memref<1024x768xf32, #tpu.memory_space<any>>
    tpu.enqueue_dma source(%dma_start3A_16 : memref<1024x768xf32, #tpu.memory_space<any>>) target(%dma_start3A_13 : memref<1024x768xf32, #tpu.memory_space<vmem>>) target_semaphore(%arg11 : memref<!tpu.dma_semaphore, #tpu.memory_space<semaphore_mem>>)
    %dma_start3A_17 = arith.constant 1024 : i32
    %dma_start3A_18 = arith.constant 0 : i32
    %dma_start3A_19 = tpu.memref_slice %arg8[%dma_start3A_17, %dma_start3A_18] : memref<2048x768xf32, #tpu.memory_space<vmem>> -> memref<1024x768xf32, #tpu.memory_space<vmem>>
    %dma_start3A_20 = arith.constant 3072 : i32
    %dma_start3A_21 = arith.constant 0 : i32
    %dma_start3A_22 = tpu.memref_slice %arg4[%dma_start3A_20, %dma_start3A_21] : memref<8192x768xf32, #tpu.memory_space<any>> -> memref<1024x768xf32, #tpu.memory_space<any>>
    tpu.enqueue_dma source(%dma_start3A_22 : memref<1024x768xf32, #tpu.memory_space<any>>) target(%dma_start3A_19 : memref<1024x768xf32, #tpu.memory_space<vmem>>) target_semaphore(%arg11 : memref<!tpu.dma_semaphore, #tpu.memory_space<semaphore_mem>>)
    %get3A = arith.constant 0 : index
    %get3A_23 = arith.constant 0 : index
    %get3A_24 = vector.load %arg0[%get3A, %get3A_23] : memref<1x768xf32, #tpu.memory_space<vmem>>, vector<1x768xf32>
    %get3A_25 = arith.constant 0 : index
    %get3A_26 = arith.constant 0 : index
    %get3A_27 = vector.load %arg1[%get3A_25, %get3A_26] : memref<768x256xf32, #tpu.memory_space<vmem>>, vector<768x256xf32>
    %dot_general3A = arith.constant dense<0.000000e+00> : vector<1x256xf32>
    %dot_general3A_28 = tpu.matmul %get3A_24, %get3A_27, %dot_general3A {dimension_numbers = #tpu.dot_dimension_numbers<[1], [0], [0], [1], [0, 0, 1, 1], [], []>, precision = #tpu.contract_precision<fp32>, transpose_lhs_hint = false} : vector<1x768xf32>, vector<768x256xf32>, vector<1x256xf32> -> vector<1x256xf32>
    %get3A_29 = arith.constant 0 : index
    %get3A_30 = arith.constant 0 : index
    %get3A_31 = vector.load %arg2[%get3A_29, %get3A_30] : memref<1x256xf32, #tpu.memory_space<vmem>>, vector<1x256xf32>
    %add3A = arith.addf %dot_general3A_28, %get3A_31 : vector<1x256xf32>
    %get3A_32 = arith.constant 0 : index
    %get3A_33 = arith.constant 0 : index
    %get3A_34 = vector.load %arg3[%get3A_32, %get3A_33] : memref<768x256xf32, #tpu.memory_space<vmem>>, vector<768x256xf32>
    %dot_general3A_35 = arith.constant dense<0.000000e+00> : vector<1x768xf32>
    %dot_general3A_36 = tpu.matmul %add3A, %get3A_34, %dot_general3A_35 {dimension_numbers = #tpu.dot_dimension_numbers<[1], [1], [0], [0], [0, 0, 1, 0], [], []>, precision = #tpu.contract_precision<fp32>, transpose_lhs_hint = false} : vector<1x256xf32>, vector<768x256xf32>, vector<1x768xf32> -> vector<1x768xf32>
    %reshape3A = vector.shape_cast %dot_general3A_36 : vector<1x768xf32> to vector<1x1x768xf32>
    %dma_wait3A = arith.constant 0 : i32
    %dma_wait3A_37 = arith.constant 0 : i32
    %dma_wait3A_38 = tpu.memref_slice %arg7[%dma_wait3A, %dma_wait3A_37] : memref<2048x768xf32, #tpu.memory_space<vmem>> -> memref<1024x768xf32, #tpu.memory_space<vmem>>
    %dma_wait3A_39 = arith.constant 0 : i32
    %dma_wait3A_40 = arith.constant 0 : i32
    %dma_wait3A_41 = tpu.memref_slice %arg4[%dma_wait3A_39, %dma_wait3A_40] : memref<8192x768xf32, #tpu.memory_space<any>> -> memref<1024x768xf32, #tpu.memory_space<any>>
    tpu.wait_dma2 semaphore(%arg10 : memref<!tpu.dma_semaphore, #tpu.memory_space<semaphore_mem>>) src(%dma_wait3A_41 : memref<1024x768xf32, #tpu.memory_space<any>>) dst(%dma_wait3A_38 : memref<1024x768xf32, #tpu.memory_space<vmem>>)
    %dma_wait3A_42 = arith.constant 1024 : i32
    %dma_wait3A_43 = arith.constant 0 : i32
    %dma_wait3A_44 = tpu.memref_slice %arg7[%dma_wait3A_42, %dma_wait3A_43] : memref<2048x768xf32, #tpu.memory_space<vmem>> -> memref<1024x768xf32, #tpu.memory_space<vmem>>
    %dma_wait3A_45 = arith.constant 0 : i32
    %dma_wait3A_46 = arith.constant 0 : i32
    %dma_wait3A_47 = tpu.memref_slice %arg4[%dma_wait3A_45, %dma_wait3A_46] : memref<8192x768xf32, #tpu.memory_space<any>> -> memref<1024x768xf32, #tpu.memory_space<any>>
    tpu.wait_dma2 semaphore(%arg10 : memref<!tpu.dma_semaphore, #tpu.memory_space<semaphore_mem>>) src(%dma_wait3A_47 : memref<1024x768xf32, #tpu.memory_space<any>>) dst(%dma_wait3A_44 : memref<1024x768xf32, #tpu.memory_space<vmem>>)
    %get3A_48 = arith.constant 0 : index
    %get3A_49 = arith.constant 0 : index
    %get3A_50 = vector.load %arg7[%get3A_48, %get3A_49] : memref<2048x768xf32, #tpu.memory_space<vmem>>, vector<2048x768xf32>
    %reshape3A_51 = vector.shape_cast %get3A_50 : vector<2048x768xf32> to vector<16x128x768xf32>
    %mul3A = vector.broadcast %reshape3A : vector<1x1x768xf32> to vector<16x128x768xf32>
    %mul3A_52 = arith.mulf %reshape3A_51, %mul3A : vector<16x128x768xf32>
    %reduce_sum3A = arith.constant dense<0.000000e+00> : vector<16x128xf32>
    %reduce_sum3A_53 = vector.multi_reduction <add>, %mul3A_52, %reduce_sum3A [2] : vector<16x128x768xf32> to vector<16x128xf32>
    %mul3A_54 = arith.constant 6.250000e-02 : f32
    %mul3A_55 = vector.broadcast %mul3A_54 : f32 to vector<16x128xf32>
    %mul3A_56 = arith.mulf %reduce_sum3A_53, %mul3A_55 : vector<16x128xf32>
    %swap3A = arith.constant 0 : index
    %swap3A_57 = arith.constant 0 : index
    %swap3A_58 = vector.load %arg9[%swap3A, %swap3A_57] : memref<64x128xf32, #tpu.memory_space<vmem>>, vector<16x128xf32>
    tpu.vector_store %arg9[%swap3A, %swap3A_57], %mul3A_56 {strides = array<i32>} : memref<64x128xf32, #tpu.memory_space<vmem>>, vector<16x128xf32>,
    %dma_start3A_59 = arith.constant 0 : i32
    %dma_start3A_60 = arith.constant 0 : i32
    %dma_start3A_61 = tpu.memref_slice %arg7[%dma_start3A_59, %dma_start3A_60] : memref<2048x768xf32, #tpu.memory_space<vmem>> -> memref<1024x768xf32, #tpu.memory_space<vmem>>
    %dma_start3A_62 = arith.constant 4096 : i32
    %dma_start3A_63 = arith.constant 0 : i32
    %dma_start3A_64 = tpu.memref_slice %arg4[%dma_start3A_62, %dma_start3A_63] : memref<8192x768xf32, #tpu.memory_space<any>> -> memref<1024x768xf32, #tpu.memory_space<any>>
    tpu.enqueue_dma source(%dma_start3A_64 : memref<1024x768xf32, #tpu.memory_space<any>>) target(%dma_start3A_61 : memref<1024x768xf32, #tpu.memory_space<vmem>>) target_semaphore(%arg10 : memref<!tpu.dma_semaphore, #tpu.memory_space<semaphore_mem>>)
    %dma_start3A_65 = arith.constant 1024 : i32
    %dma_start3A_66 = arith.constant 0 : i32
    %dma_start3A_67 = tpu.memref_slice %arg7[%dma_start3A_65, %dma_start3A_66] : memref<2048x768xf32, #tpu.memory_space<vmem>> -> memref<1024x768xf32, #tpu.memory_space<vmem>>
    %dma_start3A_68 = arith.constant 5120 : i32
    %dma_start3A_69 = arith.constant 0 : i32
    %dma_start3A_70 = tpu.memref_slice %arg4[%dma_start3A_68, %dma_start3A_69] : memref<8192x768xf32, #tpu.memory_space<any>> -> memref<1024x768xf32, #tpu.memory_space<any>>
    tpu.enqueue_dma source(%dma_start3A_70 : memref<1024x768xf32, #tpu.memory_space<any>>) target(%dma_start3A_67 : memref<1024x768xf32, #tpu.memory_space<vmem>>) target_semaphore(%arg10 : memref<!tpu.dma_semaphore, #tpu.memory_space<semaphore_mem>>)
    %dma_wait3A_71 = arith.constant 0 : i32
    %dma_wait3A_72 = arith.constant 0 : i32
    %dma_wait3A_73 = tpu.memref_slice %arg8[%dma_wait3A_71, %dma_wait3A_72] : memref<2048x768xf32, #tpu.memory_space<vmem>> -> memref<1024x768xf32, #tpu.memory_space<vmem>>
    %dma_wait3A_74 = arith.constant 0 : i32
    %dma_wait3A_75 = arith.constant 0 : i32
    %dma_wait3A_76 = tpu.memref_slice %arg4[%dma_wait3A_74, %dma_wait3A_75] : memref<8192x768xf32, #tpu.memory_space<any>> -> memref<1024x768xf32, #tpu.memory_space<any>>
    tpu.wait_dma2 semaphore(%arg11 : memref<!tpu.dma_semaphore, #tpu.memory_space<semaphore_mem>>) src(%dma_wait3A_76 : memref<1024x768xf32, #tpu.memory_space<any>>) dst(%dma_wait3A_73 : memref<1024x768xf32, #tpu.memory_space<vmem>>)
    %dma_wait3A_77 = arith.constant 1024 : i32
    %dma_wait3A_78 = arith.constant 0 : i32
    %dma_wait3A_79 = tpu.memref_slice %arg8[%dma_wait3A_77, %dma_wait3A_78] : memref<2048x768xf32, #tpu.memory_space<vmem>> -> memref<1024x768xf32, #tpu.memory_space<vmem>>
    %dma_wait3A_80 = arith.constant 0 : i32
    %dma_wait3A_81 = arith.constant 0 : i32
    %dma_wait3A_82 = tpu.memref_slice %arg4[%dma_wait3A_80, %dma_wait3A_81] : memref<8192x768xf32, #tpu.memory_space<any>> -> memref<1024x768xf32, #tpu.memory_space<any>>
    tpu.wait_dma2 semaphore(%arg11 : memref<!tpu.dma_semaphore, #tpu.memory_space<semaphore_mem>>) src(%dma_wait3A_82 : memref<1024x768xf32, #tpu.memory_space<any>>) dst(%dma_wait3A_79 : memref<1024x768xf32, #tpu.memory_space<vmem>>)
    %get3A_83 = arith.constant 0 : index
    %get3A_84 = arith.constant 0 : index
    %get3A_85 = vector.load %arg8[%get3A_83, %get3A_84] : memref<2048x768xf32, #tpu.memory_space<vmem>>, vector<2048x768xf32>
    %reshape3A_86 = vector.shape_cast %get3A_85 : vector<2048x768xf32> to vector<16x128x768xf32>
    %mul3A_87 = vector.broadcast %reshape3A : vector<1x1x768xf32> to vector<16x128x768xf32>
    %mul3A_88 = arith.mulf %reshape3A_86, %mul3A_87 : vector<16x128x768xf32>
    %reduce_sum3A_89 = arith.constant dense<0.000000e+00> : vector<16x128xf32>
    %reduce_sum3A_90 = vector.multi_reduction <add>, %mul3A_88, %reduce_sum3A_89 [2] : vector<16x128x768xf32> to vector<16x128xf32>
    %mul3A_91 = arith.constant 6.250000e-02 : f32
    %mul3A_92 = vector.broadcast %mul3A_91 : f32 to vector<16x128xf32>
    %mul3A_93 = arith.mulf %reduce_sum3A_90, %mul3A_92 : vector<16x128xf32>
    %swap3A_94 = arith.constant 16 : index
    %swap3A_95 = arith.constant 0 : index
    %swap3A_96 = vector.load %arg9[%swap3A_94, %swap3A_95] : memref<64x128xf32, #tpu.memory_space<vmem>>, vector<16x128xf32>
    tpu.vector_store %arg9[%swap3A_94, %swap3A_95], %mul3A_93 {strides = array<i32>} : memref<64x128xf32, #tpu.memory_space<vmem>>, vector<16x128xf32>,
    %dma_start3A_97 = arith.constant 0 : i32
    %dma_start3A_98 = arith.constant 0 : i32
    %dma_start3A_99 = tpu.memref_slice %arg8[%dma_start3A_97, %dma_start3A_98] : memref<2048x768xf32, #tpu.memory_space<vmem>> -> memref<1024x768xf32, #tpu.memory_space<vmem>>
    %dma_start3A_100 = arith.constant 6144 : i32
    %dma_start3A_101 = arith.constant 0 : i32
    %dma_start3A_102 = tpu.memref_slice %arg4[%dma_start3A_100, %dma_start3A_101] : memref<8192x768xf32, #tpu.memory_space<any>> -> memref<1024x768xf32, #tpu.memory_space<any>>
    tpu.enqueue_dma source(%dma_start3A_102 : memref<1024x768xf32, #tpu.memory_space<any>>) target(%dma_start3A_99 : memref<1024x768xf32, #tpu.memory_space<vmem>>) target_semaphore(%arg11 : memref<!tpu.dma_semaphore, #tpu.memory_space<semaphore_mem>>)
    %dma_start3A_103 = arith.constant 1024 : i32
    %dma_start3A_104 = arith.constant 0 : i32
    %dma_start3A_105 = tpu.memref_slice %arg8[%dma_start3A_103, %dma_start3A_104] : memref<2048x768xf32, #tpu.memory_space<vmem>> -> memref<1024x768xf32, #tpu.memory_space<vmem>>
    %dma_start3A_106 = arith.constant 7168 : i32
    %dma_start3A_107 = arith.constant 0 : i32
    %dma_start3A_108 = tpu.memref_slice %arg4[%dma_start3A_106, %dma_start3A_107] : memref<8192x768xf32, #tpu.memory_space<any>> -> memref<1024x768xf32, #tpu.memory_space<any>>
    tpu.enqueue_dma source(%dma_start3A_108 : memref<1024x768xf32, #tpu.memory_space<any>>) target(%dma_start3A_105 : memref<1024x768xf32, #tpu.memory_space<vmem>>) target_semaphore(%arg11 : memref<!tpu.dma_semaphore, #tpu.memory_space<semaphore_mem>>)
    %dma_wait3A_109 = arith.constant 0 : i32
    %dma_wait3A_110 = arith.constant 0 : i32
    %dma_wait3A_111 = tpu.memref_slice %arg7[%dma_wait3A_109, %dma_wait3A_110] : memref<2048x768xf32, #tpu.memory_space<vmem>> -> memref<1024x768xf32, #tpu.memory_space<vmem>>
    %dma_wait3A_112 = arith.constant 0 : i32
    %dma_wait3A_113 = arith.constant 0 : i32
    %dma_wait3A_114 = tpu.memref_slice %arg4[%dma_wait3A_112, %dma_wait3A_113] : memref<8192x768xf32, #tpu.memory_space<any>> -> memref<1024x768xf32, #tpu.memory_space<any>>
    tpu.wait_dma2 semaphore(%arg10 : memref<!tpu.dma_semaphore, #tpu.memory_space<semaphore_mem>>) src(%dma_wait3A_114 : memref<1024x768xf32, #tpu.memory_space<any>>) dst(%dma_wait3A_111 : memref<1024x768xf32, #tpu.memory_space<vmem>>)
    %dma_wait3A_115 = arith.constant 1024 : i32
    %dma_wait3A_116 = arith.constant 0 : i32
    %dma_wait3A_117 = tpu.memref_slice %arg7[%dma_wait3A_115, %dma_wait3A_116] : memref<2048x768xf32, #tpu.memory_space<vmem>> -> memref<1024x768xf32, #tpu.memory_space<vmem>>
    %dma_wait3A_118 = arith.constant 0 : i32
    %dma_wait3A_119 = arith.constant 0 : i32
    %dma_wait3A_120 = tpu.memref_slice %arg4[%dma_wait3A_118, %dma_wait3A_119] : memref<8192x768xf32, #tpu.memory_space<any>> -> memref<1024x768xf32, #tpu.memory_space<any>>
    tpu.wait_dma2 semaphore(%arg10 : memref<!tpu.dma_semaphore, #tpu.memory_space<semaphore_mem>>) src(%dma_wait3A_120 : memref<1024x768xf32, #tpu.memory_space<any>>) dst(%dma_wait3A_117 : memref<1024x768xf32, #tpu.memory_space<vmem>>)
    %get3A_121 = arith.constant 0 : index
    %get3A_122 = arith.constant 0 : index
    %get3A_123 = vector.load %arg7[%get3A_121, %get3A_122] : memref<2048x768xf32, #tpu.memory_space<vmem>>, vector<2048x768xf32>
    %reshape3A_124 = vector.shape_cast %get3A_123 : vector<2048x768xf32> to vector<16x128x768xf32>
    %mul3A_125 = vector.broadcast %reshape3A : vector<1x1x768xf32> to vector<16x128x768xf32>
    %mul3A_126 = arith.mulf %reshape3A_124, %mul3A_125 : vector<16x128x768xf32>
    %reduce_sum3A_127 = arith.constant dense<0.000000e+00> : vector<16x128xf32>
    %reduce_sum3A_128 = vector.multi_reduction <add>, %mul3A_126, %reduce_sum3A_127 [2] : vector<16x128x768xf32> to vector<16x128xf32>
    %mul3A_129 = arith.constant 6.250000e-02 : f32
    %mul3A_130 = vector.broadcast %mul3A_129 : f32 to vector<16x128xf32>
    %mul3A_131 = arith.mulf %reduce_sum3A_128, %mul3A_130 : vector<16x128xf32>
    %swap3A_132 = arith.constant 32 : index
    %swap3A_133 = arith.constant 0 : index
    %swap3A_134 = vector.load %arg9[%swap3A_132, %swap3A_133] : memref<64x128xf32, #tpu.memory_space<vmem>>, vector<16x128xf32>
    tpu.vector_store %arg9[%swap3A_132, %swap3A_133], %mul3A_131 {strides = array<i32>} : memref<64x128xf32, #tpu.memory_space<vmem>>, vector<16x128xf32>,
    %dma_wait3A_135 = arith.constant 0 : i32
    %dma_wait3A_136 = arith.constant 0 : i32
    %dma_wait3A_137 = tpu.memref_slice %arg8[%dma_wait3A_135, %dma_wait3A_136] : memref<2048x768xf32, #tpu.memory_space<vmem>> -> memref<1024x768xf32, #tpu.memory_space<vmem>>
    %dma_wait3A_138 = arith.constant 0 : i32
    %dma_wait3A_139 = arith.constant 0 : i32
    %dma_wait3A_140 = tpu.memref_slice %arg4[%dma_wait3A_138, %dma_wait3A_139] : memref<8192x768xf32, #tpu.memory_space<any>> -> memref<1024x768xf32, #tpu.memory_space<any>>
    tpu.wait_dma2 semaphore(%arg11 : memref<!tpu.dma_semaphore, #tpu.memory_space<semaphore_mem>>) src(%dma_wait3A_140 : memref<1024x768xf32, #tpu.memory_space<any>>) dst(%dma_wait3A_137 : memref<1024x768xf32, #tpu.memory_space<vmem>>)
    %dma_wait3A_141 = arith.constant 1024 : i32
    %dma_wait3A_142 = arith.constant 0 : i32
    %dma_wait3A_143 = tpu.memref_slice %arg8[%dma_wait3A_141, %dma_wait3A_142] : memref<2048x768xf32, #tpu.memory_space<vmem>> -> memref<1024x768xf32, #tpu.memory_space<vmem>>
    %dma_wait3A_144 = arith.constant 0 : i32
    %dma_wait3A_145 = arith.constant 0 : i32
    %dma_wait3A_146 = tpu.memref_slice %arg4[%dma_wait3A_144, %dma_wait3A_145] : memref<8192x768xf32, #tpu.memory_space<any>> -> memref<1024x768xf32, #tpu.memory_space<any>>
    tpu.wait_dma2 semaphore(%arg11 : memref<!tpu.dma_semaphore, #tpu.memory_space<semaphore_mem>>) src(%dma_wait3A_146 : memref<1024x768xf32, #tpu.memory_space<any>>) dst(%dma_wait3A_143 : memref<1024x768xf32, #tpu.memory_space<vmem>>)
    %get3A_147 = arith.constant 0 : index
    %get3A_148 = arith.constant 0 : index
    %get3A_149 = vector.load %arg8[%get3A_147, %get3A_148] : memref<2048x768xf32, #tpu.memory_space<vmem>>, vector<2048x768xf32>
    %reshape3A_150 = vector.shape_cast %get3A_149 : vector<2048x768xf32> to vector<16x128x768xf32>
    %mul3A_151 = vector.broadcast %reshape3A : vector<1x1x768xf32> to vector<16x128x768xf32>
    %mul3A_152 = arith.mulf %reshape3A_150, %mul3A_151 : vector<16x128x768xf32>
    %reduce_sum3A_153 = arith.constant dense<0.000000e+00> : vector<16x128xf32>
    %reduce_sum3A_154 = vector.multi_reduction <add>, %mul3A_152, %reduce_sum3A_153 [2] : vector<16x128x768xf32> to vector<16x128xf32>
    %mul3A_155 = arith.constant 6.250000e-02 : f32
    %mul3A_156 = vector.broadcast %mul3A_155 : f32 to vector<16x128xf32>
    %mul3A_157 = arith.mulf %reduce_sum3A_154, %mul3A_156 : vector<16x128xf32>
    %swap3A_158 = arith.constant 48 : index
    %swap3A_159 = arith.constant 0 : index
    %swap3A_160 = vector.load %arg9[%swap3A_158, %swap3A_159] : memref<64x128xf32, #tpu.memory_space<vmem>>, vector<16x128xf32>
    tpu.vector_store %arg9[%swap3A_158, %swap3A_159], %mul3A_157 {strides = array<i32>} : memref<64x128xf32, #tpu.memory_space<vmem>>, vector<16x128xf32>,
    %get3A_161 = arith.constant 0 : index
    %get3A_162 = arith.constant 0 : index
    %get3A_163 = vector.load %arg9[%get3A_161, %get3A_162] : memref<64x128xf32, #tpu.memory_space<vmem>>, vector<64x128xf32>
    %reshape3A_164 = vector.shape_cast %get3A_163 : vector<64x128xf32> to vector<8x8x128xf32>
    %reduce_max3A = vector.shape_cast %reshape3A_164 : vector<8x8x128xf32> to vector<1x8x8x128xf32>
    %reduce_max3A_165 = arith.constant dense<0xFF800000> : vector<1xf32>
    %reduce_max3A_166 = vector.multi_reduction <maximumf>, %reduce_max3A, %reduce_max3A_165 [1, 2, 3] : vector<1x8x8x128xf32> to vector<1xf32>
    %reduce_max3A_167 = vector.shape_cast %reduce_max3A_166 : vector<1xf32> to vector<1x1x1x1xf32>
    %reduce_max3A_168 = vector.extract %reduce_max3A_167[0, 0, 0, 0] : f32 from vector<1x1x1x1xf32>
    %sub3A = vector.broadcast %reduce_max3A_168 : f32 to vector<8x8x128xf32>
    %sub3A_169 = arith.subf %reshape3A_164, %sub3A : vector<8x8x128xf32>
    %exp3A = math.exp %sub3A_169 : vector<8x8x128xf32>
    %reduce_sum3A_170 = vector.shape_cast %exp3A : vector<8x8x128xf32> to vector<1x8x8x128xf32>
    %reduce_sum3A_171 = arith.constant dense<0.000000e+00> : vector<1xf32>
    %reduce_sum3A_172 = vector.multi_reduction <add>, %reduce_sum3A_170, %reduce_sum3A_171 [1, 2, 3] : vector<1x8x8x128xf32> to vector<1xf32>
    %reduce_sum3A_173 = vector.shape_cast %reduce_sum3A_172 : vector<1xf32> to vector<1x1x1x1xf32>
    %reduce_sum3A_174 = vector.extract %reduce_sum3A_173[0, 0, 0, 0] : f32 from vector<1x1x1x1xf32>
    %div3A = arith.constant 1.000000e+00 : f32
    %div3A_175 = arith.divf %div3A, %reduce_sum3A_174 : f32
    %iota3A = tpu.iota {dimensions = array<i32: 0>} : vector<8x8x128xi32>
    %mul3A_176 = arith.constant 1024 : i32
    %mul3A_177 = vector.broadcast %mul3A_176 : i32 to vector<8x8x128xi32>
    %mul3A_178 = arith.muli %iota3A, %mul3A_177 : vector<8x8x128xi32>
    %iota3A_179 = tpu.iota {dimensions = array<i32: 1>} : vector<8x8x128xi32>
    %mul3A_180 = arith.constant 128 : i32
    %mul3A_181 = vector.broadcast %mul3A_180 : i32 to vector<8x8x128xi32>
    %mul3A_182 = arith.muli %iota3A_179, %mul3A_181 : vector<8x8x128xi32>
    %add3A_183 = arith.addi %mul3A_178, %mul3A_182 : vector<8x8x128xi32>
    %iota3A_184 = tpu.iota {dimensions = array<i32: 2>} : vector<8x8x128xi32>
    %add3A_185 = arith.addi %add3A_183, %iota3A_184 : vector<8x8x128xi32>
    %iota3A_186 = tpu.iota {dimensions = array<i32: 1>} : vector<1x32xi32>
    %broadcast_in_dim3A = arith.constant 0.000000e+00 : f32
    %broadcast_in_dim3A_187 = vector.broadcast %broadcast_in_dim3A : f32 to vector<1x32xf32>
    %broadcast_in_dim3A_188 = arith.constant 0 : i32
    %broadcast_in_dim3A_189 = vector.broadcast %broadcast_in_dim3A_188 : i32 to vector<1x32xi32>
    %reduce_max3A_190 = arith.constant dense<0xFF800000> : vector<8x128xf32>
    %reduce_max3A_191 = vector.multi_reduction <maximumf>, %exp3A, %reduce_max3A_190 [0] : vector<8x8x128xf32> to vector<8x128xf32>
    %reduce_max3A_192 = vector.shape_cast %reduce_max3A_191 : vector<8x128xf32> to vector<1x8x128xf32>
    %reduce_max3A_193 = arith.constant dense<0xFF800000> : vector<1xf32>
    %reduce_max3A_194 = vector.multi_reduction <maximumf>, %reduce_max3A_192, %reduce_max3A_193 [1, 2] : vector<1x8x128xf32> to vector<1xf32>
    %reduce_max3A_195 = vector.shape_cast %reduce_max3A_194 : vector<1xf32> to vector<1x1x1xf32>
    %reduce_max3A_196 = vector.extract %reduce_max3A_195[0, 0, 0] : f32 from vector<1x1x1xf32>
    %eq3A = vector.broadcast %reduce_max3A_196 : f32 to vector<8x8x128xf32>
    %eq3A_197 = arith.cmpf oeq, %exp3A, %eq3A : vector<8x8x128xf32>
    %jit3A = arith.constant 1073741824 : i32
    %broadcast_in_dim3A_198 = vector.broadcast %jit3A : i32 to vector<8x8x128xi32>
    %select_n3A = arith.select %eq3A_197, %add3A_185, %broadcast_in_dim3A_198 : vector<8x8x128xi1>, vector<8x8x128xi32>
    %reduce_min3A = vector.shape_cast %select_n3A : vector<8x8x128xi32> to vector<1x8x8x128xi32>
    %reduce_min3A_199 = arith.constant dense<2147483647> : vector<1xi32>
    %reduce_min3A_200 = vector.multi_reduction <minsi>, %reduce_min3A, %reduce_min3A_199 [1, 2, 3] : vector<1x8x8x128xi32> to vector<1xi32>
    %reduce_min3A_201 = vector.shape_cast %reduce_min3A_200 : vector<1xi32> to vector<1x1x1x1xi32>
    %reduce_min3A_202 = vector.extract %reduce_min3A_201[0, 0, 0, 0] : i32 from vector<1x1x1x1xi32>
    %eq3A_203 = arith.constant 0 : i32
    %eq3A_204 = vector.broadcast %eq3A_203 : i32 to vector<1x32xi32>
    %eq3A_205 = arith.cmpi eq, %iota3A_186, %eq3A_204 : vector<1x32xi32>
    %mul3A_206 = arith.mulf %reduce_max3A_196, %div3A_175 : f32
    %broadcast_in_dim3A_207 = vector.broadcast %mul3A_206 : f32 to vector<1x32xf32>
    %select_n3A_208 = arith.select %eq3A_205, %broadcast_in_dim3A_207, %broadcast_in_dim3A_187 : vector<1x32xi1>, vector<1x32xf32>
    %eq3A_209 = arith.constant 0 : i32
    %eq3A_210 = vector.broadcast %eq3A_209 : i32 to vector<1x32xi32>
    %eq3A_211 = arith.cmpi eq, %iota3A_186, %eq3A_210 : vector<1x32xi32>
    %broadcast_in_dim3A_212 = vector.broadcast %reduce_min3A_202 : i32 to vector<1x32xi32>
    %select_n3A_213 = arith.select %eq3A_211, %broadcast_in_dim3A_212, %broadcast_in_dim3A_189 : vector<1x32xi1>, vector<1x32xi32>
    %jit3A_214 = arith.constant 0.000000e+00 : f32
    %broadcast_in_dim3A_215 = vector.broadcast %jit3A_214 : f32 to vector<8x8x128xf32>
    %select_n3A_216 = arith.select %eq3A_197, %broadcast_in_dim3A_215, %exp3A : vector<8x8x128xi1>, vector<8x8x128xf32>
    %reduce_max3A_217 = arith.constant dense<0xFF800000> : vector<8x128xf32>
    %reduce_max3A_218 = vector.multi_reduction <maximumf>, %select_n3A_216, %reduce_max3A_217 [0] : vector<8x8x128xf32> to vector<8x128xf32>
    %reduce_max3A_219 = vector.shape_cast %reduce_max3A_218 : vector<8x128xf32> to vector<1x8x128xf32>
    %reduce_max3A_220 = arith.constant dense<0xFF800000> : vector<1xf32>
    %reduce_max3A_221 = vector.multi_reduction <maximumf>, %reduce_max3A_219, %reduce_max3A_220 [1, 2] : vector<1x8x128xf32> to vector<1xf32>
    %reduce_max3A_222 = vector.shape_cast %reduce_max3A_221 : vector<1xf32> to vector<1x1x1xf32>
    %reduce_max3A_223 = vector.extract %reduce_max3A_222[0, 0, 0] : f32 from vector<1x1x1xf32>
    %eq3A_224 = vector.broadcast %reduce_max3A_223 : f32 to vector<8x8x128xf32>
    %eq3A_225 = arith.cmpf oeq, %select_n3A_216, %eq3A_224 : vector<8x8x128xf32>
    %jit3A_226 = arith.constant 1073741824 : i32
    %broadcast_in_dim3A_227 = vector.broadcast %jit3A_226 : i32 to vector<8x8x128xi32>
    %select_n3A_228 = arith.select %eq3A_225, %add3A_185, %broadcast_in_dim3A_227 : vector<8x8x128xi1>, vector<8x8x128xi32>
    %reduce_min3A_229 = vector.shape_cast %select_n3A_228 : vector<8x8x128xi32> to vector<1x8x8x128xi32>
    %reduce_min3A_230 = arith.constant dense<2147483647> : vector<1xi32>
    %reduce_min3A_231 = vector.multi_reduction <minsi>, %reduce_min3A_229, %reduce_min3A_230 [1, 2, 3] : vector<1x8x8x128xi32> to vector<1xi32>
    %reduce_min3A_232 = vector.shape_cast %reduce_min3A_231 : vector<1xi32> to vector<1x1x1x1xi32>
    %reduce_min3A_233 = vector.extract %reduce_min3A_232[0, 0, 0, 0] : i32 from vector<1x1x1x1xi32>
    %eq3A_234 = arith.constant 1 : i32
    %eq3A_235 = vector.broadcast %eq3A_234 : i32 to vector<1x32xi32>
    %eq3A_236 = arith.cmpi eq, %iota3A_186, %eq3A_235 : vector<1x32xi32>
    %mul3A_237 = arith.mulf %reduce_max3A_223, %div3A_175 : f32
    %broadcast_in_dim3A_238 = vector.broadcast %mul3A_237 : f32 to vector<1x32xf32>
    %select_n3A_239 = arith.select %eq3A_236, %broadcast_in_dim3A_238, %select_n3A_208 : vector<1x32xi1>, vector<1x32xf32>
    %eq3A_240 = arith.constant 1 : i32
    %eq3A_241 = vector.broadcast %eq3A_240 : i32 to vector<1x32xi32>
    %eq3A_242 = arith.cmpi eq, %iota3A_186, %eq3A_241 : vector<1x32xi32>
    %broadcast_in_dim3A_243 = vector.broadcast %reduce_min3A_233 : i32 to vector<1x32xi32>
    %select_n3A_244 = arith.select %eq3A_242, %broadcast_in_dim3A_243, %select_n3A_213 : vector<1x32xi1>, vector<1x32xi32>
    %jit3A_245 = arith.constant 0.000000e+00 : f32
    %broadcast_in_dim3A_246 = vector.broadcast %jit3A_245 : f32 to vector<8x8x128xf32>
    %select_n3A_247 = arith.select %eq3A_225, %broadcast_in_dim3A_246, %select_n3A_216 : vector<8x8x128xi1>, vector<8x8x128xf32>
    %reduce_max3A_248 = arith.constant dense<0xFF800000> : vector<8x128xf32>
    %reduce_max3A_249 = vector.multi_reduction <maximumf>, %select_n3A_247, %reduce_max3A_248 [0] : vector<8x8x128xf32> to vector<8x128xf32>
    %reduce_max3A_250 = vector.shape_cast %reduce_max3A_249 : vector<8x128xf32> to vector<1x8x128xf32>
    %reduce_max3A_251 = arith.constant dense<0xFF800000> : vector<1xf32>
    %reduce_max3A_252 = vector.multi_reduction <maximumf>, %reduce_max3A_250, %reduce_max3A_251 [1, 2] : vector<1x8x128xf32> to vector<1xf32>
    %reduce_max3A_253 = vector.shape_cast %reduce_max3A_252 : vector<1xf32> to vector<1x1x1xf32>
    %reduce_max3A_254 = vector.extract %reduce_max3A_253[0, 0, 0] : f32 from vector<1x1x1xf32>
    %eq3A_255 = vector.broadcast %reduce_max3A_254 : f32 to vector<8x8x128xf32>
    %eq3A_256 = arith.cmpf oeq, %select_n3A_247, %eq3A_255 : vector<8x8x128xf32>
    %jit3A_257 = arith.constant 1073741824 : i32
    %broadcast_in_dim3A_258 = vector.broadcast %jit3A_257 : i32 to vector<8x8x128xi32>
    %select_n3A_259 = arith.select %eq3A_256, %add3A_185, %broadcast_in_dim3A_258 : vector<8x8x128xi1>, vector<8x8x128xi32>
    %reduce_min3A_260 = vector.shape_cast %select_n3A_259 : vector<8x8x128xi32> to vector<1x8x8x128xi32>
    %reduce_min3A_261 = arith.constant dense<2147483647> : vector<1xi32>
    %reduce_min3A_262 = vector.multi_reduction <minsi>, %reduce_min3A_260, %reduce_min3A_261 [1, 2, 3] : vector<1x8x8x128xi32> to vector<1xi32>
    %reduce_min3A_263 = vector.shape_cast %reduce_min3A_262 : vector<1xi32> to vector<1x1x1x1xi32>
    %reduce_min3A_264 = vector.extract %reduce_min3A_263[0, 0, 0, 0] : i32 from vector<1x1x1x1xi32>
    %eq3A_265 = arith.constant 2 : i32
    %eq3A_266 = vector.broadcast %eq3A_265 : i32 to vector<1x32xi32>
    %eq3A_267 = arith.cmpi eq, %iota3A_186, %eq3A_266 : vector<1x32xi32>
    %mul3A_268 = arith.mulf %reduce_max3A_254, %div3A_175 : f32
    %broadcast_in_dim3A_269 = vector.broadcast %mul3A_268 : f32 to vector<1x32xf32>
    %select_n3A_270 = arith.select %eq3A_267, %broadcast_in_dim3A_269, %select_n3A_239 : vector<1x32xi1>, vector<1x32xf32>
    %eq3A_271 = arith.constant 2 : i32
    %eq3A_272 = vector.broadcast %eq3A_271 : i32 to vector<1x32xi32>
    %eq3A_273 = arith.cmpi eq, %iota3A_186, %eq3A_272 : vector<1x32xi32>
    %broadcast_in_dim3A_274 = vector.broadcast %reduce_min3A_264 : i32 to vector<1x32xi32>
    %select_n3A_275 = arith.select %eq3A_273, %broadcast_in_dim3A_274, %select_n3A_244 : vector<1x32xi1>, vector<1x32xi32>
    %jit3A_276 = arith.constant 0.000000e+00 : f32
    %broadcast_in_dim3A_277 = vector.broadcast %jit3A_276 : f32 to vector<8x8x128xf32>
    %select_n3A_278 = arith.select %eq3A_256, %broadcast_in_dim3A_277, %select_n3A_247 : vector<8x8x128xi1>, vector<8x8x128xf32>
    %reduce_max3A_279 = arith.constant dense<0xFF800000> : vector<8x128xf32>
    %reduce_max3A_280 = vector.multi_reduction <maximumf>, %select_n3A_278, %reduce_max3A_279 [0] : vector<8x8x128xf32> to vector<8x128xf32>
    %reduce_max3A_281 = vector.shape_cast %reduce_max3A_280 : vector<8x128xf32> to vector<1x8x128xf32>
    %reduce_max3A_282 = arith.constant dense<0xFF800000> : vector<1xf32>
    %reduce_max3A_283 = vector.multi_reduction <maximumf>, %reduce_max3A_281, %reduce_max3A_282 [1, 2] : vector<1x8x128xf32> to vector<1xf32>
    %reduce_max3A_284 = vector.shape_cast %reduce_max3A_283 : vector<1xf32> to vector<1x1x1xf32>
    %reduce_max3A_285 = vector.extract %reduce_max3A_284[0, 0, 0] : f32 from vector<1x1x1xf32>
    %eq3A_286 = vector.broadcast %reduce_max3A_285 : f32 to vector<8x8x128xf32>
    %eq3A_287 = arith.cmpf oeq, %select_n3A_278, %eq3A_286 : vector<8x8x128xf32>
    %jit3A_288 = arith.constant 1073741824 : i32
    %broadcast_in_dim3A_289 = vector.broadcast %jit3A_288 : i32 to vector<8x8x128xi32>
    %select_n3A_290 = arith.select %eq3A_287, %add3A_185, %broadcast_in_dim3A_289 : vector<8x8x128xi1>, vector<8x8x128xi32>
    %reduce_min3A_291 = vector.shape_cast %select_n3A_290 : vector<8x8x128xi32> to vector<1x8x8x128xi32>
    %reduce_min3A_292 = arith.constant dense<2147483647> : vector<1xi32>
    %reduce_min3A_293 = vector.multi_reduction <minsi>, %reduce_min3A_291, %reduce_min3A_292 [1, 2, 3] : vector<1x8x8x128xi32> to vector<1xi32>
    %reduce_min3A_294 = vector.shape_cast %reduce_min3A_293 : vector<1xi32> to vector<1x1x1x1xi32>
    %reduce_min3A_295 = vector.extract %reduce_min3A_294[0, 0, 0, 0] : i32 from vector<1x1x1x1xi32>
    %eq3A_296 = arith.constant 3 : i32
    %eq3A_297 = vector.broadcast %eq3A_296 : i32 to vector<1x32xi32>
    %eq3A_298 = arith.cmpi eq, %iota3A_186, %eq3A_297 : vector<1x32xi32>
    %mul3A_299 = arith.mulf %reduce_max3A_285, %div3A_175 : f32
    %broadcast_in_dim3A_300 = vector.broadcast %mul3A_299 : f32 to vector<1x32xf32>
    %select_n3A_301 = arith.select %eq3A_298, %broadcast_in_dim3A_300, %select_n3A_270 : vector<1x32xi1>, vector<1x32xf32>
    %eq3A_302 = arith.constant 3 : i32
    %eq3A_303 = vector.broadcast %eq3A_302 : i32 to vector<1x32xi32>
    %eq3A_304 = arith.cmpi eq, %iota3A_186, %eq3A_303 : vector<1x32xi32>
    %broadcast_in_dim3A_305 = vector.broadcast %reduce_min3A_295 : i32 to vector<1x32xi32>
    %select_n3A_306 = arith.select %eq3A_304, %broadcast_in_dim3A_305, %select_n3A_275 : vector<1x32xi1>, vector<1x32xi32>
    %jit3A_307 = arith.constant 0.000000e+00 : f32
    %broadcast_in_dim3A_308 = vector.broadcast %jit3A_307 : f32 to vector<8x8x128xf32>
    %select_n3A_309 = arith.select %eq3A_287, %broadcast_in_dim3A_308, %select_n3A_278 : vector<8x8x128xi1>, vector<8x8x128xf32>
    %reduce_max3A_310 = arith.constant dense<0xFF800000> : vector<8x128xf32>
    %reduce_max3A_311 = vector.multi_reduction <maximumf>, %select_n3A_309, %reduce_max3A_310 [0] : vector<8x8x128xf32> to vector<8x128xf32>
    %reduce_max3A_312 = vector.shape_cast %reduce_max3A_311 : vector<8x128xf32> to vector<1x8x128xf32>
    %reduce_max3A_313 = arith.constant dense<0xFF800000> : vector<1xf32>
    %reduce_max3A_314 = vector.multi_reduction <maximumf>, %reduce_max3A_312, %reduce_max3A_313 [1, 2] : vector<1x8x128xf32> to vector<1xf32>
    %reduce_max3A_315 = vector.shape_cast %reduce_max3A_314 : vector<1xf32> to vector<1x1x1xf32>
    %reduce_max3A_316 = vector.extract %reduce_max3A_315[0, 0, 0] : f32 from vector<1x1x1xf32>
    %eq3A_317 = vector.broadcast %reduce_max3A_316 : f32 to vector<8x8x128xf32>
    %eq3A_318 = arith.cmpf oeq, %select_n3A_309, %eq3A_317 : vector<8x8x128xf32>
    %jit3A_319 = arith.constant 1073741824 : i32
    %broadcast_in_dim3A_320 = vector.broadcast %jit3A_319 : i32 to vector<8x8x128xi32>
    %select_n3A_321 = arith.select %eq3A_318, %add3A_185, %broadcast_in_dim3A_320 : vector<8x8x128xi1>, vector<8x8x128xi32>
    %reduce_min3A_322 = vector.shape_cast %select_n3A_321 : vector<8x8x128xi32> to vector<1x8x8x128xi32>
    %reduce_min3A_323 = arith.constant dense<2147483647> : vector<1xi32>
    %reduce_min3A_324 = vector.multi_reduction <minsi>, %reduce_min3A_322, %reduce_min3A_323 [1, 2, 3] : vector<1x8x8x128xi32> to vector<1xi32>
    %reduce_min3A_325 = vector.shape_cast %reduce_min3A_324 : vector<1xi32> to vector<1x1x1x1xi32>
    %reduce_min3A_326 = vector.extract %reduce_min3A_325[0, 0, 0, 0] : i32 from vector<1x1x1x1xi32>
    %eq3A_327 = arith.constant 4 : i32
    %eq3A_328 = vector.broadcast %eq3A_327 : i32 to vector<1x32xi32>
    %eq3A_329 = arith.cmpi eq, %iota3A_186, %eq3A_328 : vector<1x32xi32>
    %mul3A_330 = arith.mulf %reduce_max3A_316, %div3A_175 : f32
    %broadcast_in_dim3A_331 = vector.broadcast %mul3A_330 : f32 to vector<1x32xf32>
    %select_n3A_332 = arith.select %eq3A_329, %broadcast_in_dim3A_331, %select_n3A_301 : vector<1x32xi1>, vector<1x32xf32>
    %eq3A_333 = arith.constant 4 : i32
    %eq3A_334 = vector.broadcast %eq3A_333 : i32 to vector<1x32xi32>
    %eq3A_335 = arith.cmpi eq, %iota3A_186, %eq3A_334 : vector<1x32xi32>
    %broadcast_in_dim3A_336 = vector.broadcast %reduce_min3A_326 : i32 to vector<1x32xi32>
    %select_n3A_337 = arith.select %eq3A_335, %broadcast_in_dim3A_336, %select_n3A_306 : vector<1x32xi1>, vector<1x32xi32>
    %jit3A_338 = arith.constant 0.000000e+00 : f32
    %broadcast_in_dim3A_339 = vector.broadcast %jit3A_338 : f32 to vector<8x8x128xf32>
    %select_n3A_340 = arith.select %eq3A_318, %broadcast_in_dim3A_339, %select_n3A_309 : vector<8x8x128xi1>, vector<8x8x128xf32>
    %reduce_max3A_341 = arith.constant dense<0xFF800000> : vector<8x128xf32>
    %reduce_max3A_342 = vector.multi_reduction <maximumf>, %select_n3A_340, %reduce_max3A_341 [0] : vector<8x8x128xf32> to vector<8x128xf32>
    %reduce_max3A_343 = vector.shape_cast %reduce_max3A_342 : vector<8x128xf32> to vector<1x8x128xf32>
    %reduce_max3A_344 = arith.constant dense<0xFF800000> : vector<1xf32>
    %reduce_max3A_345 = vector.multi_reduction <maximumf>, %reduce_max3A_343, %reduce_max3A_344 [1, 2] : vector<1x8x128xf32> to vector<1xf32>
    %reduce_max3A_346 = vector.shape_cast %reduce_max3A_345 : vector<1xf32> to vector<1x1x1xf32>
    %reduce_max3A_347 = vector.extract %reduce_max3A_346[0, 0, 0] : f32 from vector<1x1x1xf32>
    %eq3A_348 = vector.broadcast %reduce_max3A_347 : f32 to vector<8x8x128xf32>
    %eq3A_349 = arith.cmpf oeq, %select_n3A_340, %eq3A_348 : vector<8x8x128xf32>
    %jit3A_350 = arith.constant 1073741824 : i32
    %broadcast_in_dim3A_351 = vector.broadcast %jit3A_350 : i32 to vector<8x8x128xi32>
    %select_n3A_352 = arith.select %eq3A_349, %add3A_185, %broadcast_in_dim3A_351 : vector<8x8x128xi1>, vector<8x8x128xi32>
    %reduce_min3A_353 = vector.shape_cast %select_n3A_352 : vector<8x8x128xi32> to vector<1x8x8x128xi32>
    %reduce_min3A_354 = arith.constant dense<2147483647> : vector<1xi32>
    %reduce_min3A_355 = vector.multi_reduction <minsi>, %reduce_min3A_353, %reduce_min3A_354 [1, 2, 3] : vector<1x8x8x128xi32> to vector<1xi32>
    %reduce_min3A_356 = vector.shape_cast %reduce_min3A_355 : vector<1xi32> to vector<1x1x1x1xi32>
    %reduce_min3A_357 = vector.extract %reduce_min3A_356[0, 0, 0, 0] : i32 from vector<1x1x1x1xi32>
    %eq3A_358 = arith.constant 5 : i32
    %eq3A_359 = vector.broadcast %eq3A_358 : i32 to vector<1x32xi32>
    %eq3A_360 = arith.cmpi eq, %iota3A_186, %eq3A_359 : vector<1x32xi32>
    %mul3A_361 = arith.mulf %reduce_max3A_347, %div3A_175 : f32
    %broadcast_in_dim3A_362 = vector.broadcast %mul3A_361 : f32 to vector<1x32xf32>
    %select_n3A_363 = arith.select %eq3A_360, %broadcast_in_dim3A_362, %select_n3A_332 : vector<1x32xi1>, vector<1x32xf32>
    %eq3A_364 = arith.constant 5 : i32
    %eq3A_365 = vector.broadcast %eq3A_364 : i32 to vector<1x32xi32>
    %eq3A_366 = arith.cmpi eq, %iota3A_186, %eq3A_365 : vector<1x32xi32>
    %broadcast_in_dim3A_367 = vector.broadcast %reduce_min3A_357 : i32 to vector<1x32xi32>
    %select_n3A_368 = arith.select %eq3A_366, %broadcast_in_dim3A_367, %select_n3A_337 : vector<1x32xi1>, vector<1x32xi32>
    %jit3A_369 = arith.constant 0.000000e+00 : f32
    %broadcast_in_dim3A_370 = vector.broadcast %jit3A_369 : f32 to vector<8x8x128xf32>
    %select_n3A_371 = arith.select %eq3A_349, %broadcast_in_dim3A_370, %select_n3A_340 : vector<8x8x128xi1>, vector<8x8x128xf32>
    %reduce_max3A_372 = arith.constant dense<0xFF800000> : vector<8x128xf32>
    %reduce_max3A_373 = vector.multi_reduction <maximumf>, %select_n3A_371, %reduce_max3A_372 [0] : vector<8x8x128xf32> to vector<8x128xf32>
    %reduce_max3A_374 = vector.shape_cast %reduce_max3A_373 : vector<8x128xf32> to vector<1x8x128xf32>
    %reduce_max3A_375 = arith.constant dense<0xFF800000> : vector<1xf32>
    %reduce_max3A_376 = vector.multi_reduction <maximumf>, %reduce_max3A_374, %reduce_max3A_375 [1, 2] : vector<1x8x128xf32> to vector<1xf32>
    %reduce_max3A_377 = vector.shape_cast %reduce_max3A_376 : vector<1xf32> to vector<1x1x1xf32>
    %reduce_max3A_378 = vector.extract %reduce_max3A_377[0, 0, 0] : f32 from vector<1x1x1xf32>
    %eq3A_379 = vector.broadcast %reduce_max3A_378 : f32 to vector<8x8x128xf32>
    %eq3A_380 = arith.cmpf oeq, %select_n3A_371, %eq3A_379 : vector<8x8x128xf32>
    %jit3A_381 = arith.constant 1073741824 : i32
    %broadcast_in_dim3A_382 = vector.broadcast %jit3A_381 : i32 to vector<8x8x128xi32>
    %select_n3A_383 = arith.select %eq3A_380, %add3A_185, %broadcast_in_dim3A_382 : vector<8x8x128xi1>, vector<8x8x128xi32>
    %reduce_min3A_384 = vector.shape_cast %select_n3A_383 : vector<8x8x128xi32> to vector<1x8x8x128xi32>
    %reduce_min3A_385 = arith.constant dense<2147483647> : vector<1xi32>
    %reduce_min3A_386 = vector.multi_reduction <minsi>, %reduce_min3A_384, %reduce_min3A_385 [1, 2, 3] : vector<1x8x8x128xi32> to vector<1xi32>
    %reduce_min3A_387 = vector.shape_cast %reduce_min3A_386 : vector<1xi32> to vector<1x1x1x1xi32>
    %reduce_min3A_388 = vector.extract %reduce_min3A_387[0, 0, 0, 0] : i32 from vector<1x1x1x1xi32>
    %eq3A_389 = arith.constant 6 : i32
    %eq3A_390 = vector.broadcast %eq3A_389 : i32 to vector<1x32xi32>
    %eq3A_391 = arith.cmpi eq, %iota3A_186, %eq3A_390 : vector<1x32xi32>
    %mul3A_392 = arith.mulf %reduce_max3A_378, %div3A_175 : f32
    %broadcast_in_dim3A_393 = vector.broadcast %mul3A_392 : f32 to vector<1x32xf32>
    %select_n3A_394 = arith.select %eq3A_391, %broadcast_in_dim3A_393, %select_n3A_363 : vector<1x32xi1>, vector<1x32xf32>
    %eq3A_395 = arith.constant 6 : i32
    %eq3A_396 = vector.broadcast %eq3A_395 : i32 to vector<1x32xi32>
    %eq3A_397 = arith.cmpi eq, %iota3A_186, %eq3A_396 : vector<1x32xi32>
    %broadcast_in_dim3A_398 = vector.broadcast %reduce_min3A_388 : i32 to vector<1x32xi32>
    %select_n3A_399 = arith.select %eq3A_397, %broadcast_in_dim3A_398, %select_n3A_368 : vector<1x32xi1>, vector<1x32xi32>
    %jit3A_400 = arith.constant 0.000000e+00 : f32
    %broadcast_in_dim3A_401 = vector.broadcast %jit3A_400 : f32 to vector<8x8x128xf32>
    %select_n3A_402 = arith.select %eq3A_380, %broadcast_in_dim3A_401, %select_n3A_371 : vector<8x8x128xi1>, vector<8x8x128xf32>
    %reduce_max3A_403 = arith.constant dense<0xFF800000> : vector<8x128xf32>
    %reduce_max3A_404 = vector.multi_reduction <maximumf>, %select_n3A_402, %reduce_max3A_403 [0] : vector<8x8x128xf32> to vector<8x128xf32>
    %reduce_max3A_405 = vector.shape_cast %reduce_max3A_404 : vector<8x128xf32> to vector<1x8x128xf32>
    %reduce_max3A_406 = arith.constant dense<0xFF800000> : vector<1xf32>
    %reduce_max3A_407 = vector.multi_reduction <maximumf>, %reduce_max3A_405, %reduce_max3A_406 [1, 2] : vector<1x8x128xf32> to vector<1xf32>
    %reduce_max3A_408 = vector.shape_cast %reduce_max3A_407 : vector<1xf32> to vector<1x1x1xf32>
    %reduce_max3A_409 = vector.extract %reduce_max3A_408[0, 0, 0] : f32 from vector<1x1x1xf32>
    %eq3A_410 = vector.broadcast %reduce_max3A_409 : f32 to vector<8x8x128xf32>
    %eq3A_411 = arith.cmpf oeq, %select_n3A_402, %eq3A_410 : vector<8x8x128xf32>
    %jit3A_412 = arith.constant 1073741824 : i32
    %broadcast_in_dim3A_413 = vector.broadcast %jit3A_412 : i32 to vector<8x8x128xi32>
    %select_n3A_414 = arith.select %eq3A_411, %add3A_185, %broadcast_in_dim3A_413 : vector<8x8x128xi1>, vector<8x8x128xi32>
    %reduce_min3A_415 = vector.shape_cast %select_n3A_414 : vector<8x8x128xi32> to vector<1x8x8x128xi32>
    %reduce_min3A_416 = arith.constant dense<2147483647> : vector<1xi32>
    %reduce_min3A_417 = vector.multi_reduction <minsi>, %reduce_min3A_415, %reduce_min3A_416 [1, 2, 3] : vector<1x8x8x128xi32> to vector<1xi32>
    %reduce_min3A_418 = vector.shape_cast %reduce_min3A_417 : vector<1xi32> to vector<1x1x1x1xi32>
    %reduce_min3A_419 = vector.extract %reduce_min3A_418[0, 0, 0, 0] : i32 from vector<1x1x1x1xi32>
    %eq3A_420 = arith.constant 7 : i32
    %eq3A_421 = vector.broadcast %eq3A_420 : i32 to vector<1x32xi32>
    %eq3A_422 = arith.cmpi eq, %iota3A_186, %eq3A_421 : vector<1x32xi32>
    %mul3A_423 = arith.mulf %reduce_max3A_409, %div3A_175 : f32
    %broadcast_in_dim3A_424 = vector.broadcast %mul3A_423 : f32 to vector<1x32xf32>
    %select_n3A_425 = arith.select %eq3A_422, %broadcast_in_dim3A_424, %select_n3A_394 : vector<1x32xi1>, vector<1x32xf32>
    %eq3A_426 = arith.constant 7 : i32
    %eq3A_427 = vector.broadcast %eq3A_426 : i32 to vector<1x32xi32>
    %eq3A_428 = arith.cmpi eq, %iota3A_186, %eq3A_427 : vector<1x32xi32>
    %broadcast_in_dim3A_429 = vector.broadcast %reduce_min3A_419 : i32 to vector<1x32xi32>
    %select_n3A_430 = arith.select %eq3A_428, %broadcast_in_dim3A_429, %select_n3A_399 : vector<1x32xi1>, vector<1x32xi32>
    %jit3A_431 = arith.constant 0.000000e+00 : f32
    %broadcast_in_dim3A_432 = vector.broadcast %jit3A_431 : f32 to vector<8x8x128xf32>
    %select_n3A_433 = arith.select %eq3A_411, %broadcast_in_dim3A_432, %select_n3A_402 : vector<8x8x128xi1>, vector<8x8x128xf32>
    %reduce_max3A_434 = arith.constant dense<0xFF800000> : vector<8x128xf32>
    %reduce_max3A_435 = vector.multi_reduction <maximumf>, %select_n3A_433, %reduce_max3A_434 [0] : vector<8x8x128xf32> to vector<8x128xf32>
    %reduce_max3A_436 = vector.shape_cast %reduce_max3A_435 : vector<8x128xf32> to vector<1x8x128xf32>
    %reduce_max3A_437 = arith.constant dense<0xFF800000> : vector<1xf32>
    %reduce_max3A_438 = vector.multi_reduction <maximumf>, %reduce_max3A_436, %reduce_max3A_437 [1, 2] : vector<1x8x128xf32> to vector<1xf32>
    %reduce_max3A_439 = vector.shape_cast %reduce_max3A_438 : vector<1xf32> to vector<1x1x1xf32>
    %reduce_max3A_440 = vector.extract %reduce_max3A_439[0, 0, 0] : f32 from vector<1x1x1xf32>
    %eq3A_441 = vector.broadcast %reduce_max3A_440 : f32 to vector<8x8x128xf32>
    %eq3A_442 = arith.cmpf oeq, %select_n3A_433, %eq3A_441 : vector<8x8x128xf32>
    %jit3A_443 = arith.constant 1073741824 : i32
    %broadcast_in_dim3A_444 = vector.broadcast %jit3A_443 : i32 to vector<8x8x128xi32>
    %select_n3A_445 = arith.select %eq3A_442, %add3A_185, %broadcast_in_dim3A_444 : vector<8x8x128xi1>, vector<8x8x128xi32>
    %reduce_min3A_446 = vector.shape_cast %select_n3A_445 : vector<8x8x128xi32> to vector<1x8x8x128xi32>
    %reduce_min3A_447 = arith.constant dense<2147483647> : vector<1xi32>
    %reduce_min3A_448 = vector.multi_reduction <minsi>, %reduce_min3A_446, %reduce_min3A_447 [1, 2, 3] : vector<1x8x8x128xi32> to vector<1xi32>
    %reduce_min3A_449 = vector.shape_cast %reduce_min3A_448 : vector<1xi32> to vector<1x1x1x1xi32>
    %reduce_min3A_450 = vector.extract %reduce_min3A_449[0, 0, 0, 0] : i32 from vector<1x1x1x1xi32>
    %eq3A_451 = arith.constant 8 : i32
    %eq3A_452 = vector.broadcast %eq3A_451 : i32 to vector<1x32xi32>
    %eq3A_453 = arith.cmpi eq, %iota3A_186, %eq3A_452 : vector<1x32xi32>
    %mul3A_454 = arith.mulf %reduce_max3A_440, %div3A_175 : f32
    %broadcast_in_dim3A_455 = vector.broadcast %mul3A_454 : f32 to vector<1x32xf32>
    %select_n3A_456 = arith.select %eq3A_453, %broadcast_in_dim3A_455, %select_n3A_425 : vector<1x32xi1>, vector<1x32xf32>
    %eq3A_457 = arith.constant 8 : i32
    %eq3A_458 = vector.broadcast %eq3A_457 : i32 to vector<1x32xi32>
    %eq3A_459 = arith.cmpi eq, %iota3A_186, %eq3A_458 : vector<1x32xi32>
    %broadcast_in_dim3A_460 = vector.broadcast %reduce_min3A_450 : i32 to vector<1x32xi32>
    %select_n3A_461 = arith.select %eq3A_459, %broadcast_in_dim3A_460, %select_n3A_430 : vector<1x32xi1>, vector<1x32xi32>
    %jit3A_462 = arith.constant 0.000000e+00 : f32
    %broadcast_in_dim3A_463 = vector.broadcast %jit3A_462 : f32 to vector<8x8x128xf32>
    %select_n3A_464 = arith.select %eq3A_442, %broadcast_in_dim3A_463, %select_n3A_433 : vector<8x8x128xi1>, vector<8x8x128xf32>
    %reduce_max3A_465 = arith.constant dense<0xFF800000> : vector<8x128xf32>
    %reduce_max3A_466 = vector.multi_reduction <maximumf>, %select_n3A_464, %reduce_max3A_465 [0] : vector<8x8x128xf32> to vector<8x128xf32>
    %reduce_max3A_467 = vector.shape_cast %reduce_max3A_466 : vector<8x128xf32> to vector<1x8x128xf32>
    %reduce_max3A_468 = arith.constant dense<0xFF800000> : vector<1xf32>
    %reduce_max3A_469 = vector.multi_reduction <maximumf>, %reduce_max3A_467, %reduce_max3A_468 [1, 2] : vector<1x8x128xf32> to vector<1xf32>
    %reduce_max3A_470 = vector.shape_cast %reduce_max3A_469 : vector<1xf32> to vector<1x1x1xf32>
    %reduce_max3A_471 = vector.extract %reduce_max3A_470[0, 0, 0] : f32 from vector<1x1x1xf32>
    %eq3A_472 = vector.broadcast %reduce_max3A_471 : f32 to vector<8x8x128xf32>
    %eq3A_473 = arith.cmpf oeq, %select_n3A_464, %eq3A_472 : vector<8x8x128xf32>
    %jit3A_474 = arith.constant 1073741824 : i32
    %broadcast_in_dim3A_475 = vector.broadcast %jit3A_474 : i32 to vector<8x8x128xi32>
    %select_n3A_476 = arith.select %eq3A_473, %add3A_185, %broadcast_in_dim3A_475 : vector<8x8x128xi1>, vector<8x8x128xi32>
    %reduce_min3A_477 = vector.shape_cast %select_n3A_476 : vector<8x8x128xi32> to vector<1x8x8x128xi32>
    %reduce_min3A_478 = arith.constant dense<2147483647> : vector<1xi32>
    %reduce_min3A_479 = vector.multi_reduction <minsi>, %reduce_min3A_477, %reduce_min3A_478 [1, 2, 3] : vector<1x8x8x128xi32> to vector<1xi32>
    %reduce_min3A_480 = vector.shape_cast %reduce_min3A_479 : vector<1xi32> to vector<1x1x1x1xi32>
    %reduce_min3A_481 = vector.extract %reduce_min3A_480[0, 0, 0, 0] : i32 from vector<1x1x1x1xi32>
    %eq3A_482 = arith.constant 9 : i32
    %eq3A_483 = vector.broadcast %eq3A_482 : i32 to vector<1x32xi32>
    %eq3A_484 = arith.cmpi eq, %iota3A_186, %eq3A_483 : vector<1x32xi32>
    %mul3A_485 = arith.mulf %reduce_max3A_471, %div3A_175 : f32
    %broadcast_in_dim3A_486 = vector.broadcast %mul3A_485 : f32 to vector<1x32xf32>
    %select_n3A_487 = arith.select %eq3A_484, %broadcast_in_dim3A_486, %select_n3A_456 : vector<1x32xi1>, vector<1x32xf32>
    %eq3A_488 = arith.constant 9 : i32
    %eq3A_489 = vector.broadcast %eq3A_488 : i32 to vector<1x32xi32>
    %eq3A_490 = arith.cmpi eq, %iota3A_186, %eq3A_489 : vector<1x32xi32>
    %broadcast_in_dim3A_491 = vector.broadcast %reduce_min3A_481 : i32 to vector<1x32xi32>
    %select_n3A_492 = arith.select %eq3A_490, %broadcast_in_dim3A_491, %select_n3A_461 : vector<1x32xi1>, vector<1x32xi32>
    %jit3A_493 = arith.constant 0.000000e+00 : f32
    %broadcast_in_dim3A_494 = vector.broadcast %jit3A_493 : f32 to vector<8x8x128xf32>
    %select_n3A_495 = arith.select %eq3A_473, %broadcast_in_dim3A_494, %select_n3A_464 : vector<8x8x128xi1>, vector<8x8x128xf32>
    %reduce_max3A_496 = arith.constant dense<0xFF800000> : vector<8x128xf32>
    %reduce_max3A_497 = vector.multi_reduction <maximumf>, %select_n3A_495, %reduce_max3A_496 [0] : vector<8x8x128xf32> to vector<8x128xf32>
    %reduce_max3A_498 = vector.shape_cast %reduce_max3A_497 : vector<8x128xf32> to vector<1x8x128xf32>
    %reduce_max3A_499 = arith.constant dense<0xFF800000> : vector<1xf32>
    %reduce_max3A_500 = vector.multi_reduction <maximumf>, %reduce_max3A_498, %reduce_max3A_499 [1, 2] : vector<1x8x128xf32> to vector<1xf32>
    %reduce_max3A_501 = vector.shape_cast %reduce_max3A_500 : vector<1xf32> to vector<1x1x1xf32>
    %reduce_max3A_502 = vector.extract %reduce_max3A_501[0, 0, 0] : f32 from vector<1x1x1xf32>
    %eq3A_503 = vector.broadcast %reduce_max3A_502 : f32 to vector<8x8x128xf32>
    %eq3A_504 = arith.cmpf oeq, %select_n3A_495, %eq3A_503 : vector<8x8x128xf32>
    %jit3A_505 = arith.constant 1073741824 : i32
    %broadcast_in_dim3A_506 = vector.broadcast %jit3A_505 : i32 to vector<8x8x128xi32>
    %select_n3A_507 = arith.select %eq3A_504, %add3A_185, %broadcast_in_dim3A_506 : vector<8x8x128xi1>, vector<8x8x128xi32>
    %reduce_min3A_508 = vector.shape_cast %select_n3A_507 : vector<8x8x128xi32> to vector<1x8x8x128xi32>
    %reduce_min3A_509 = arith.constant dense<2147483647> : vector<1xi32>
    %reduce_min3A_510 = vector.multi_reduction <minsi>, %reduce_min3A_508, %reduce_min3A_509 [1, 2, 3] : vector<1x8x8x128xi32> to vector<1xi32>
    %reduce_min3A_511 = vector.shape_cast %reduce_min3A_510 : vector<1xi32> to vector<1x1x1x1xi32>
    %reduce_min3A_512 = vector.extract %reduce_min3A_511[0, 0, 0, 0] : i32 from vector<1x1x1x1xi32>
    %eq3A_513 = arith.constant 10 : i32
    %eq3A_514 = vector.broadcast %eq3A_513 : i32 to vector<1x32xi32>
    %eq3A_515 = arith.cmpi eq, %iota3A_186, %eq3A_514 : vector<1x32xi32>
    %mul3A_516 = arith.mulf %reduce_max3A_502, %div3A_175 : f32
    %broadcast_in_dim3A_517 = vector.broadcast %mul3A_516 : f32 to vector<1x32xf32>
    %select_n3A_518 = arith.select %eq3A_515, %broadcast_in_dim3A_517, %select_n3A_487 : vector<1x32xi1>, vector<1x32xf32>
    %eq3A_519 = arith.constant 10 : i32
    %eq3A_520 = vector.broadcast %eq3A_519 : i32 to vector<1x32xi32>
    %eq3A_521 = arith.cmpi eq, %iota3A_186, %eq3A_520 : vector<1x32xi32>
    %broadcast_in_dim3A_522 = vector.broadcast %reduce_min3A_512 : i32 to vector<1x32xi32>
    %select_n3A_523 = arith.select %eq3A_521, %broadcast_in_dim3A_522, %select_n3A_492 : vector<1x32xi1>, vector<1x32xi32>
    %jit3A_524 = arith.constant 0.000000e+00 : f32
    %broadcast_in_dim3A_525 = vector.broadcast %jit3A_524 : f32 to vector<8x8x128xf32>
    %select_n3A_526 = arith.select %eq3A_504, %broadcast_in_dim3A_525, %select_n3A_495 : vector<8x8x128xi1>, vector<8x8x128xf32>
    %reduce_max3A_527 = arith.constant dense<0xFF800000> : vector<8x128xf32>
    %reduce_max3A_528 = vector.multi_reduction <maximumf>, %select_n3A_526, %reduce_max3A_527 [0] : vector<8x8x128xf32> to vector<8x128xf32>
    %reduce_max3A_529 = vector.shape_cast %reduce_max3A_528 : vector<8x128xf32> to vector<1x8x128xf32>
    %reduce_max3A_530 = arith.constant dense<0xFF800000> : vector<1xf32>
    %reduce_max3A_531 = vector.multi_reduction <maximumf>, %reduce_max3A_529, %reduce_max3A_530 [1, 2] : vector<1x8x128xf32> to vector<1xf32>
    %reduce_max3A_532 = vector.shape_cast %reduce_max3A_531 : vector<1xf32> to vector<1x1x1xf32>
    %reduce_max3A_533 = vector.extract %reduce_max3A_532[0, 0, 0] : f32 from vector<1x1x1xf32>
    %eq3A_534 = vector.broadcast %reduce_max3A_533 : f32 to vector<8x8x128xf32>
    %eq3A_535 = arith.cmpf oeq, %select_n3A_526, %eq3A_534 : vector<8x8x128xf32>
    %jit3A_536 = arith.constant 1073741824 : i32
    %broadcast_in_dim3A_537 = vector.broadcast %jit3A_536 : i32 to vector<8x8x128xi32>
    %select_n3A_538 = arith.select %eq3A_535, %add3A_185, %broadcast_in_dim3A_537 : vector<8x8x128xi1>, vector<8x8x128xi32>
    %reduce_min3A_539 = vector.shape_cast %select_n3A_538 : vector<8x8x128xi32> to vector<1x8x8x128xi32>
    %reduce_min3A_540 = arith.constant dense<2147483647> : vector<1xi32>
    %reduce_min3A_541 = vector.multi_reduction <minsi>, %reduce_min3A_539, %reduce_min3A_540 [1, 2, 3] : vector<1x8x8x128xi32> to vector<1xi32>
    %reduce_min3A_542 = vector.shape_cast %reduce_min3A_541 : vector<1xi32> to vector<1x1x1x1xi32>
    %reduce_min3A_543 = vector.extract %reduce_min3A_542[0, 0, 0, 0] : i32 from vector<1x1x1x1xi32>
    %eq3A_544 = arith.constant 11 : i32
    %eq3A_545 = vector.broadcast %eq3A_544 : i32 to vector<1x32xi32>
    %eq3A_546 = arith.cmpi eq, %iota3A_186, %eq3A_545 : vector<1x32xi32>
    %mul3A_547 = arith.mulf %reduce_max3A_533, %div3A_175 : f32
    %broadcast_in_dim3A_548 = vector.broadcast %mul3A_547 : f32 to vector<1x32xf32>
    %select_n3A_549 = arith.select %eq3A_546, %broadcast_in_dim3A_548, %select_n3A_518 : vector<1x32xi1>, vector<1x32xf32>
    %eq3A_550 = arith.constant 11 : i32
    %eq3A_551 = vector.broadcast %eq3A_550 : i32 to vector<1x32xi32>
    %eq3A_552 = arith.cmpi eq, %iota3A_186, %eq3A_551 : vector<1x32xi32>
    %broadcast_in_dim3A_553 = vector.broadcast %reduce_min3A_543 : i32 to vector<1x32xi32>
    %select_n3A_554 = arith.select %eq3A_552, %broadcast_in_dim3A_553, %select_n3A_523 : vector<1x32xi1>, vector<1x32xi32>
    %jit3A_555 = arith.constant 0.000000e+00 : f32
    %broadcast_in_dim3A_556 = vector.broadcast %jit3A_555 : f32 to vector<8x8x128xf32>
    %select_n3A_557 = arith.select %eq3A_535, %broadcast_in_dim3A_556, %select_n3A_526 : vector<8x8x128xi1>, vector<8x8x128xf32>
    %reduce_max3A_558 = arith.constant dense<0xFF800000> : vector<8x128xf32>
    %reduce_max3A_559 = vector.multi_reduction <maximumf>, %select_n3A_557, %reduce_max3A_558 [0] : vector<8x8x128xf32> to vector<8x128xf32>
    %reduce_max3A_560 = vector.shape_cast %reduce_max3A_559 : vector<8x128xf32> to vector<1x8x128xf32>
    %reduce_max3A_561 = arith.constant dense<0xFF800000> : vector<1xf32>
    %reduce_max3A_562 = vector.multi_reduction <maximumf>, %reduce_max3A_560, %reduce_max3A_561 [1, 2] : vector<1x8x128xf32> to vector<1xf32>
    %reduce_max3A_563 = vector.shape_cast %reduce_max3A_562 : vector<1xf32> to vector<1x1x1xf32>
    %reduce_max3A_564 = vector.extract %reduce_max3A_563[0, 0, 0] : f32 from vector<1x1x1xf32>
    %eq3A_565 = vector.broadcast %reduce_max3A_564 : f32 to vector<8x8x128xf32>
    %eq3A_566 = arith.cmpf oeq, %select_n3A_557, %eq3A_565 : vector<8x8x128xf32>
    %jit3A_567 = arith.constant 1073741824 : i32
    %broadcast_in_dim3A_568 = vector.broadcast %jit3A_567 : i32 to vector<8x8x128xi32>
    %select_n3A_569 = arith.select %eq3A_566, %add3A_185, %broadcast_in_dim3A_568 : vector<8x8x128xi1>, vector<8x8x128xi32>
    %reduce_min3A_570 = vector.shape_cast %select_n3A_569 : vector<8x8x128xi32> to vector<1x8x8x128xi32>
    %reduce_min3A_571 = arith.constant dense<2147483647> : vector<1xi32>
    %reduce_min3A_572 = vector.multi_reduction <minsi>, %reduce_min3A_570, %reduce_min3A_571 [1, 2, 3] : vector<1x8x8x128xi32> to vector<1xi32>
    %reduce_min3A_573 = vector.shape_cast %reduce_min3A_572 : vector<1xi32> to vector<1x1x1x1xi32>
    %reduce_min3A_574 = vector.extract %reduce_min3A_573[0, 0, 0, 0] : i32 from vector<1x1x1x1xi32>
    %eq3A_575 = arith.constant 12 : i32
    %eq3A_576 = vector.broadcast %eq3A_575 : i32 to vector<1x32xi32>
    %eq3A_577 = arith.cmpi eq, %iota3A_186, %eq3A_576 : vector<1x32xi32>
    %mul3A_578 = arith.mulf %reduce_max3A_564, %div3A_175 : f32
    %broadcast_in_dim3A_579 = vector.broadcast %mul3A_578 : f32 to vector<1x32xf32>
    %select_n3A_580 = arith.select %eq3A_577, %broadcast_in_dim3A_579, %select_n3A_549 : vector<1x32xi1>, vector<1x32xf32>
    %eq3A_581 = arith.constant 12 : i32
    %eq3A_582 = vector.broadcast %eq3A_581 : i32 to vector<1x32xi32>
    %eq3A_583 = arith.cmpi eq, %iota3A_186, %eq3A_582 : vector<1x32xi32>
    %broadcast_in_dim3A_584 = vector.broadcast %reduce_min3A_574 : i32 to vector<1x32xi32>
    %select_n3A_585 = arith.select %eq3A_583, %broadcast_in_dim3A_584, %select_n3A_554 : vector<1x32xi1>, vector<1x32xi32>
    %jit3A_586 = arith.constant 0.000000e+00 : f32
    %broadcast_in_dim3A_587 = vector.broadcast %jit3A_586 : f32 to vector<8x8x128xf32>
    %select_n3A_588 = arith.select %eq3A_566, %broadcast_in_dim3A_587, %select_n3A_557 : vector<8x8x128xi1>, vector<8x8x128xf32>
    %reduce_max3A_589 = arith.constant dense<0xFF800000> : vector<8x128xf32>
    %reduce_max3A_590 = vector.multi_reduction <maximumf>, %select_n3A_588, %reduce_max3A_589 [0] : vector<8x8x128xf32> to vector<8x128xf32>
    %reduce_max3A_591 = vector.shape_cast %reduce_max3A_590 : vector<8x128xf32> to vector<1x8x128xf32>
    %reduce_max3A_592 = arith.constant dense<0xFF800000> : vector<1xf32>
    %reduce_max3A_593 = vector.multi_reduction <maximumf>, %reduce_max3A_591, %reduce_max3A_592 [1, 2] : vector<1x8x128xf32> to vector<1xf32>
    %reduce_max3A_594 = vector.shape_cast %reduce_max3A_593 : vector<1xf32> to vector<1x1x1xf32>
    %reduce_max3A_595 = vector.extract %reduce_max3A_594[0, 0, 0] : f32 from vector<1x1x1xf32>
    %eq3A_596 = vector.broadcast %reduce_max3A_595 : f32 to vector<8x8x128xf32>
    %eq3A_597 = arith.cmpf oeq, %select_n3A_588, %eq3A_596 : vector<8x8x128xf32>
    %jit3A_598 = arith.constant 1073741824 : i32
    %broadcast_in_dim3A_599 = vector.broadcast %jit3A_598 : i32 to vector<8x8x128xi32>
    %select_n3A_600 = arith.select %eq3A_597, %add3A_185, %broadcast_in_dim3A_599 : vector<8x8x128xi1>, vector<8x8x128xi32>
    %reduce_min3A_601 = vector.shape_cast %select_n3A_600 : vector<8x8x128xi32> to vector<1x8x8x128xi32>
    %reduce_min3A_602 = arith.constant dense<2147483647> : vector<1xi32>
    %reduce_min3A_603 = vector.multi_reduction <minsi>, %reduce_min3A_601, %reduce_min3A_602 [1, 2, 3] : vector<1x8x8x128xi32> to vector<1xi32>
    %reduce_min3A_604 = vector.shape_cast %reduce_min3A_603 : vector<1xi32> to vector<1x1x1x1xi32>
    %reduce_min3A_605 = vector.extract %reduce_min3A_604[0, 0, 0, 0] : i32 from vector<1x1x1x1xi32>
    %eq3A_606 = arith.constant 13 : i32
    %eq3A_607 = vector.broadcast %eq3A_606 : i32 to vector<1x32xi32>
    %eq3A_608 = arith.cmpi eq, %iota3A_186, %eq3A_607 : vector<1x32xi32>
    %mul3A_609 = arith.mulf %reduce_max3A_595, %div3A_175 : f32
    %broadcast_in_dim3A_610 = vector.broadcast %mul3A_609 : f32 to vector<1x32xf32>
    %select_n3A_611 = arith.select %eq3A_608, %broadcast_in_dim3A_610, %select_n3A_580 : vector<1x32xi1>, vector<1x32xf32>
    %eq3A_612 = arith.constant 13 : i32
    %eq3A_613 = vector.broadcast %eq3A_612 : i32 to vector<1x32xi32>
    %eq3A_614 = arith.cmpi eq, %iota3A_186, %eq3A_613 : vector<1x32xi32>
    %broadcast_in_dim3A_615 = vector.broadcast %reduce_min3A_605 : i32 to vector<1x32xi32>
    %select_n3A_616 = arith.select %eq3A_614, %broadcast_in_dim3A_615, %select_n3A_585 : vector<1x32xi1>, vector<1x32xi32>
    %jit3A_617 = arith.constant 0.000000e+00 : f32
    %broadcast_in_dim3A_618 = vector.broadcast %jit3A_617 : f32 to vector<8x8x128xf32>
    %select_n3A_619 = arith.select %eq3A_597, %broadcast_in_dim3A_618, %select_n3A_588 : vector<8x8x128xi1>, vector<8x8x128xf32>
    %reduce_max3A_620 = arith.constant dense<0xFF800000> : vector<8x128xf32>
    %reduce_max3A_621 = vector.multi_reduction <maximumf>, %select_n3A_619, %reduce_max3A_620 [0] : vector<8x8x128xf32> to vector<8x128xf32>
    %reduce_max3A_622 = vector.shape_cast %reduce_max3A_621 : vector<8x128xf32> to vector<1x8x128xf32>
    %reduce_max3A_623 = arith.constant dense<0xFF800000> : vector<1xf32>
    %reduce_max3A_624 = vector.multi_reduction <maximumf>, %reduce_max3A_622, %reduce_max3A_623 [1, 2] : vector<1x8x128xf32> to vector<1xf32>
    %reduce_max3A_625 = vector.shape_cast %reduce_max3A_624 : vector<1xf32> to vector<1x1x1xf32>
    %reduce_max3A_626 = vector.extract %reduce_max3A_625[0, 0, 0] : f32 from vector<1x1x1xf32>
    %eq3A_627 = vector.broadcast %reduce_max3A_626 : f32 to vector<8x8x128xf32>
    %eq3A_628 = arith.cmpf oeq, %select_n3A_619, %eq3A_627 : vector<8x8x128xf32>
    %jit3A_629 = arith.constant 1073741824 : i32
    %broadcast_in_dim3A_630 = vector.broadcast %jit3A_629 : i32 to vector<8x8x128xi32>
    %select_n3A_631 = arith.select %eq3A_628, %add3A_185, %broadcast_in_dim3A_630 : vector<8x8x128xi1>, vector<8x8x128xi32>
    %reduce_min3A_632 = vector.shape_cast %select_n3A_631 : vector<8x8x128xi32> to vector<1x8x8x128xi32>
    %reduce_min3A_633 = arith.constant dense<2147483647> : vector<1xi32>
    %reduce_min3A_634 = vector.multi_reduction <minsi>, %reduce_min3A_632, %reduce_min3A_633 [1, 2, 3] : vector<1x8x8x128xi32> to vector<1xi32>
    %reduce_min3A_635 = vector.shape_cast %reduce_min3A_634 : vector<1xi32> to vector<1x1x1x1xi32>
    %reduce_min3A_636 = vector.extract %reduce_min3A_635[0, 0, 0, 0] : i32 from vector<1x1x1x1xi32>
    %eq3A_637 = arith.constant 14 : i32
    %eq3A_638 = vector.broadcast %eq3A_637 : i32 to vector<1x32xi32>
    %eq3A_639 = arith.cmpi eq, %iota3A_186, %eq3A_638 : vector<1x32xi32>
    %mul3A_640 = arith.mulf %reduce_max3A_626, %div3A_175 : f32
    %broadcast_in_dim3A_641 = vector.broadcast %mul3A_640 : f32 to vector<1x32xf32>
    %select_n3A_642 = arith.select %eq3A_639, %broadcast_in_dim3A_641, %select_n3A_611 : vector<1x32xi1>, vector<1x32xf32>
    %eq3A_643 = arith.constant 14 : i32
    %eq3A_644 = vector.broadcast %eq3A_643 : i32 to vector<1x32xi32>
    %eq3A_645 = arith.cmpi eq, %iota3A_186, %eq3A_644 : vector<1x32xi32>
    %broadcast_in_dim3A_646 = vector.broadcast %reduce_min3A_636 : i32 to vector<1x32xi32>
    %select_n3A_647 = arith.select %eq3A_645, %broadcast_in_dim3A_646, %select_n3A_616 : vector<1x32xi1>, vector<1x32xi32>
    %jit3A_648 = arith.constant 0.000000e+00 : f32
    %broadcast_in_dim3A_649 = vector.broadcast %jit3A_648 : f32 to vector<8x8x128xf32>
    %select_n3A_650 = arith.select %eq3A_628, %broadcast_in_dim3A_649, %select_n3A_619 : vector<8x8x128xi1>, vector<8x8x128xf32>
    %reduce_max3A_651 = arith.constant dense<0xFF800000> : vector<8x128xf32>
    %reduce_max3A_652 = vector.multi_reduction <maximumf>, %select_n3A_650, %reduce_max3A_651 [0] : vector<8x8x128xf32> to vector<8x128xf32>
    %reduce_max3A_653 = vector.shape_cast %reduce_max3A_652 : vector<8x128xf32> to vector<1x8x128xf32>
    %reduce_max3A_654 = arith.constant dense<0xFF800000> : vector<1xf32>
    %reduce_max3A_655 = vector.multi_reduction <maximumf>, %reduce_max3A_653, %reduce_max3A_654 [1, 2] : vector<1x8x128xf32> to vector<1xf32>
    %reduce_max3A_656 = vector.shape_cast %reduce_max3A_655 : vector<1xf32> to vector<1x1x1xf32>
    %reduce_max3A_657 = vector.extract %reduce_max3A_656[0, 0, 0] : f32 from vector<1x1x1xf32>
    %eq3A_658 = vector.broadcast %reduce_max3A_657 : f32 to vector<8x8x128xf32>
    %eq3A_659 = arith.cmpf oeq, %select_n3A_650, %eq3A_658 : vector<8x8x128xf32>
    %jit3A_660 = arith.constant 1073741824 : i32
    %broadcast_in_dim3A_661 = vector.broadcast %jit3A_660 : i32 to vector<8x8x128xi32>
    %select_n3A_662 = arith.select %eq3A_659, %add3A_185, %broadcast_in_dim3A_661 : vector<8x8x128xi1>, vector<8x8x128xi32>
    %reduce_min3A_663 = vector.shape_cast %select_n3A_662 : vector<8x8x128xi32> to vector<1x8x8x128xi32>
    %reduce_min3A_664 = arith.constant dense<2147483647> : vector<1xi32>
    %reduce_min3A_665 = vector.multi_reduction <minsi>, %reduce_min3A_663, %reduce_min3A_664 [1, 2, 3] : vector<1x8x8x128xi32> to vector<1xi32>
    %reduce_min3A_666 = vector.shape_cast %reduce_min3A_665 : vector<1xi32> to vector<1x1x1x1xi32>
    %reduce_min3A_667 = vector.extract %reduce_min3A_666[0, 0, 0, 0] : i32 from vector<1x1x1x1xi32>
    %eq3A_668 = arith.constant 15 : i32
    %eq3A_669 = vector.broadcast %eq3A_668 : i32 to vector<1x32xi32>
    %eq3A_670 = arith.cmpi eq, %iota3A_186, %eq3A_669 : vector<1x32xi32>
    %mul3A_671 = arith.mulf %reduce_max3A_657, %div3A_175 : f32
    %broadcast_in_dim3A_672 = vector.broadcast %mul3A_671 : f32 to vector<1x32xf32>
    %select_n3A_673 = arith.select %eq3A_670, %broadcast_in_dim3A_672, %select_n3A_642 : vector<1x32xi1>, vector<1x32xf32>
    %eq3A_674 = arith.constant 15 : i32
    %eq3A_675 = vector.broadcast %eq3A_674 : i32 to vector<1x32xi32>
    %eq3A_676 = arith.cmpi eq, %iota3A_186, %eq3A_675 : vector<1x32xi32>
    %broadcast_in_dim3A_677 = vector.broadcast %reduce_min3A_667 : i32 to vector<1x32xi32>
    %select_n3A_678 = arith.select %eq3A_676, %broadcast_in_dim3A_677, %select_n3A_647 : vector<1x32xi1>, vector<1x32xi32>
    %jit3A_679 = arith.constant 0.000000e+00 : f32
    %broadcast_in_dim3A_680 = vector.broadcast %jit3A_679 : f32 to vector<8x8x128xf32>
    %select_n3A_681 = arith.select %eq3A_659, %broadcast_in_dim3A_680, %select_n3A_650 : vector<8x8x128xi1>, vector<8x8x128xf32>
    %reduce_max3A_682 = arith.constant dense<0xFF800000> : vector<8x128xf32>
    %reduce_max3A_683 = vector.multi_reduction <maximumf>, %select_n3A_681, %reduce_max3A_682 [0] : vector<8x8x128xf32> to vector<8x128xf32>
    %reduce_max3A_684 = vector.shape_cast %reduce_max3A_683 : vector<8x128xf32> to vector<1x8x128xf32>
    %reduce_max3A_685 = arith.constant dense<0xFF800000> : vector<1xf32>
    %reduce_max3A_686 = vector.multi_reduction <maximumf>, %reduce_max3A_684, %reduce_max3A_685 [1, 2] : vector<1x8x128xf32> to vector<1xf32>
    %reduce_max3A_687 = vector.shape_cast %reduce_max3A_686 : vector<1xf32> to vector<1x1x1xf32>
    %reduce_max3A_688 = vector.extract %reduce_max3A_687[0, 0, 0] : f32 from vector<1x1x1xf32>
    %eq3A_689 = vector.broadcast %reduce_max3A_688 : f32 to vector<8x8x128xf32>
    %eq3A_690 = arith.cmpf oeq, %select_n3A_681, %eq3A_689 : vector<8x8x128xf32>
    %jit3A_691 = arith.constant 1073741824 : i32
    %broadcast_in_dim3A_692 = vector.broadcast %jit3A_691 : i32 to vector<8x8x128xi32>
    %select_n3A_693 = arith.select %eq3A_690, %add3A_185, %broadcast_in_dim3A_692 : vector<8x8x128xi1>, vector<8x8x128xi32>
    %reduce_min3A_694 = vector.shape_cast %select_n3A_693 : vector<8x8x128xi32> to vector<1x8x8x128xi32>
    %reduce_min3A_695 = arith.constant dense<2147483647> : vector<1xi32>
    %reduce_min3A_696 = vector.multi_reduction <minsi>, %reduce_min3A_694, %reduce_min3A_695 [1, 2, 3] : vector<1x8x8x128xi32> to vector<1xi32>
    %reduce_min3A_697 = vector.shape_cast %reduce_min3A_696 : vector<1xi32> to vector<1x1x1x1xi32>
    %reduce_min3A_698 = vector.extract %reduce_min3A_697[0, 0, 0, 0] : i32 from vector<1x1x1x1xi32>
    %eq3A_699 = arith.constant 16 : i32
    %eq3A_700 = vector.broadcast %eq3A_699 : i32 to vector<1x32xi32>
    %eq3A_701 = arith.cmpi eq, %iota3A_186, %eq3A_700 : vector<1x32xi32>
    %mul3A_702 = arith.mulf %reduce_max3A_688, %div3A_175 : f32
    %broadcast_in_dim3A_703 = vector.broadcast %mul3A_702 : f32 to vector<1x32xf32>
    %select_n3A_704 = arith.select %eq3A_701, %broadcast_in_dim3A_703, %select_n3A_673 : vector<1x32xi1>, vector<1x32xf32>
    %eq3A_705 = arith.constant 16 : i32
    %eq3A_706 = vector.broadcast %eq3A_705 : i32 to vector<1x32xi32>
    %eq3A_707 = arith.cmpi eq, %iota3A_186, %eq3A_706 : vector<1x32xi32>
    %broadcast_in_dim3A_708 = vector.broadcast %reduce_min3A_698 : i32 to vector<1x32xi32>
    %select_n3A_709 = arith.select %eq3A_707, %broadcast_in_dim3A_708, %select_n3A_678 : vector<1x32xi1>, vector<1x32xi32>
    %jit3A_710 = arith.constant 0.000000e+00 : f32
    %broadcast_in_dim3A_711 = vector.broadcast %jit3A_710 : f32 to vector<8x8x128xf32>
    %select_n3A_712 = arith.select %eq3A_690, %broadcast_in_dim3A_711, %select_n3A_681 : vector<8x8x128xi1>, vector<8x8x128xf32>
    %reduce_max3A_713 = arith.constant dense<0xFF800000> : vector<8x128xf32>
    %reduce_max3A_714 = vector.multi_reduction <maximumf>, %select_n3A_712, %reduce_max3A_713 [0] : vector<8x8x128xf32> to vector<8x128xf32>
    %reduce_max3A_715 = vector.shape_cast %reduce_max3A_714 : vector<8x128xf32> to vector<1x8x128xf32>
    %reduce_max3A_716 = arith.constant dense<0xFF800000> : vector<1xf32>
    %reduce_max3A_717 = vector.multi_reduction <maximumf>, %reduce_max3A_715, %reduce_max3A_716 [1, 2] : vector<1x8x128xf32> to vector<1xf32>
    %reduce_max3A_718 = vector.shape_cast %reduce_max3A_717 : vector<1xf32> to vector<1x1x1xf32>
    %reduce_max3A_719 = vector.extract %reduce_max3A_718[0, 0, 0] : f32 from vector<1x1x1xf32>
    %eq3A_720 = vector.broadcast %reduce_max3A_719 : f32 to vector<8x8x128xf32>
    %eq3A_721 = arith.cmpf oeq, %select_n3A_712, %eq3A_720 : vector<8x8x128xf32>
    %jit3A_722 = arith.constant 1073741824 : i32
    %broadcast_in_dim3A_723 = vector.broadcast %jit3A_722 : i32 to vector<8x8x128xi32>
    %select_n3A_724 = arith.select %eq3A_721, %add3A_185, %broadcast_in_dim3A_723 : vector<8x8x128xi1>, vector<8x8x128xi32>
    %reduce_min3A_725 = vector.shape_cast %select_n3A_724 : vector<8x8x128xi32> to vector<1x8x8x128xi32>
    %reduce_min3A_726 = arith.constant dense<2147483647> : vector<1xi32>
    %reduce_min3A_727 = vector.multi_reduction <minsi>, %reduce_min3A_725, %reduce_min3A_726 [1, 2, 3] : vector<1x8x8x128xi32> to vector<1xi32>
    %reduce_min3A_728 = vector.shape_cast %reduce_min3A_727 : vector<1xi32> to vector<1x1x1x1xi32>
    %reduce_min3A_729 = vector.extract %reduce_min3A_728[0, 0, 0, 0] : i32 from vector<1x1x1x1xi32>
    %eq3A_730 = arith.constant 17 : i32
    %eq3A_731 = vector.broadcast %eq3A_730 : i32 to vector<1x32xi32>
    %eq3A_732 = arith.cmpi eq, %iota3A_186, %eq3A_731 : vector<1x32xi32>
    %mul3A_733 = arith.mulf %reduce_max3A_719, %div3A_175 : f32
    %broadcast_in_dim3A_734 = vector.broadcast %mul3A_733 : f32 to vector<1x32xf32>
    %select_n3A_735 = arith.select %eq3A_732, %broadcast_in_dim3A_734, %select_n3A_704 : vector<1x32xi1>, vector<1x32xf32>
    %eq3A_736 = arith.constant 17 : i32
    %eq3A_737 = vector.broadcast %eq3A_736 : i32 to vector<1x32xi32>
    %eq3A_738 = arith.cmpi eq, %iota3A_186, %eq3A_737 : vector<1x32xi32>
    %broadcast_in_dim3A_739 = vector.broadcast %reduce_min3A_729 : i32 to vector<1x32xi32>
    %select_n3A_740 = arith.select %eq3A_738, %broadcast_in_dim3A_739, %select_n3A_709 : vector<1x32xi1>, vector<1x32xi32>
    %jit3A_741 = arith.constant 0.000000e+00 : f32
    %broadcast_in_dim3A_742 = vector.broadcast %jit3A_741 : f32 to vector<8x8x128xf32>
    %select_n3A_743 = arith.select %eq3A_721, %broadcast_in_dim3A_742, %select_n3A_712 : vector<8x8x128xi1>, vector<8x8x128xf32>
    %reduce_max3A_744 = arith.constant dense<0xFF800000> : vector<8x128xf32>
    %reduce_max3A_745 = vector.multi_reduction <maximumf>, %select_n3A_743, %reduce_max3A_744 [0] : vector<8x8x128xf32> to vector<8x128xf32>
    %reduce_max3A_746 = vector.shape_cast %reduce_max3A_745 : vector<8x128xf32> to vector<1x8x128xf32>
    %reduce_max3A_747 = arith.constant dense<0xFF800000> : vector<1xf32>
    %reduce_max3A_748 = vector.multi_reduction <maximumf>, %reduce_max3A_746, %reduce_max3A_747 [1, 2] : vector<1x8x128xf32> to vector<1xf32>
    %reduce_max3A_749 = vector.shape_cast %reduce_max3A_748 : vector<1xf32> to vector<1x1x1xf32>
    %reduce_max3A_750 = vector.extract %reduce_max3A_749[0, 0, 0] : f32 from vector<1x1x1xf32>
    %eq3A_751 = vector.broadcast %reduce_max3A_750 : f32 to vector<8x8x128xf32>
    %eq3A_752 = arith.cmpf oeq, %select_n3A_743, %eq3A_751 : vector<8x8x128xf32>
    %jit3A_753 = arith.constant 1073741824 : i32
    %broadcast_in_dim3A_754 = vector.broadcast %jit3A_753 : i32 to vector<8x8x128xi32>
    %select_n3A_755 = arith.select %eq3A_752, %add3A_185, %broadcast_in_dim3A_754 : vector<8x8x128xi1>, vector<8x8x128xi32>
    %reduce_min3A_756 = vector.shape_cast %select_n3A_755 : vector<8x8x128xi32> to vector<1x8x8x128xi32>
    %reduce_min3A_757 = arith.constant dense<2147483647> : vector<1xi32>
    %reduce_min3A_758 = vector.multi_reduction <minsi>, %reduce_min3A_756, %reduce_min3A_757 [1, 2, 3] : vector<1x8x8x128xi32> to vector<1xi32>
    %reduce_min3A_759 = vector.shape_cast %reduce_min3A_758 : vector<1xi32> to vector<1x1x1x1xi32>
    %reduce_min3A_760 = vector.extract %reduce_min3A_759[0, 0, 0, 0] : i32 from vector<1x1x1x1xi32>
    %eq3A_761 = arith.constant 18 : i32
    %eq3A_762 = vector.broadcast %eq3A_761 : i32 to vector<1x32xi32>
    %eq3A_763 = arith.cmpi eq, %iota3A_186, %eq3A_762 : vector<1x32xi32>
    %mul3A_764 = arith.mulf %reduce_max3A_750, %div3A_175 : f32
    %broadcast_in_dim3A_765 = vector.broadcast %mul3A_764 : f32 to vector<1x32xf32>
    %select_n3A_766 = arith.select %eq3A_763, %broadcast_in_dim3A_765, %select_n3A_735 : vector<1x32xi1>, vector<1x32xf32>
    %eq3A_767 = arith.constant 18 : i32
    %eq3A_768 = vector.broadcast %eq3A_767 : i32 to vector<1x32xi32>
    %eq3A_769 = arith.cmpi eq, %iota3A_186, %eq3A_768 : vector<1x32xi32>
    %broadcast_in_dim3A_770 = vector.broadcast %reduce_min3A_760 : i32 to vector<1x32xi32>
    %select_n3A_771 = arith.select %eq3A_769, %broadcast_in_dim3A_770, %select_n3A_740 : vector<1x32xi1>, vector<1x32xi32>
    %jit3A_772 = arith.constant 0.000000e+00 : f32
    %broadcast_in_dim3A_773 = vector.broadcast %jit3A_772 : f32 to vector<8x8x128xf32>
    %select_n3A_774 = arith.select %eq3A_752, %broadcast_in_dim3A_773, %select_n3A_743 : vector<8x8x128xi1>, vector<8x8x128xf32>
    %reduce_max3A_775 = arith.constant dense<0xFF800000> : vector<8x128xf32>
    %reduce_max3A_776 = vector.multi_reduction <maximumf>, %select_n3A_774, %reduce_max3A_775 [0] : vector<8x8x128xf32> to vector<8x128xf32>
    %reduce_max3A_777 = vector.shape_cast %reduce_max3A_776 : vector<8x128xf32> to vector<1x8x128xf32>
    %reduce_max3A_778 = arith.constant dense<0xFF800000> : vector<1xf32>
    %reduce_max3A_779 = vector.multi_reduction <maximumf>, %reduce_max3A_777, %reduce_max3A_778 [1, 2] : vector<1x8x128xf32> to vector<1xf32>
    %reduce_max3A_780 = vector.shape_cast %reduce_max3A_779 : vector<1xf32> to vector<1x1x1xf32>
    %reduce_max3A_781 = vector.extract %reduce_max3A_780[0, 0, 0] : f32 from vector<1x1x1xf32>
    %eq3A_782 = vector.broadcast %reduce_max3A_781 : f32 to vector<8x8x128xf32>
    %eq3A_783 = arith.cmpf oeq, %select_n3A_774, %eq3A_782 : vector<8x8x128xf32>
    %jit3A_784 = arith.constant 1073741824 : i32
    %broadcast_in_dim3A_785 = vector.broadcast %jit3A_784 : i32 to vector<8x8x128xi32>
    %select_n3A_786 = arith.select %eq3A_783, %add3A_185, %broadcast_in_dim3A_785 : vector<8x8x128xi1>, vector<8x8x128xi32>
    %reduce_min3A_787 = vector.shape_cast %select_n3A_786 : vector<8x8x128xi32> to vector<1x8x8x128xi32>
    %reduce_min3A_788 = arith.constant dense<2147483647> : vector<1xi32>
    %reduce_min3A_789 = vector.multi_reduction <minsi>, %reduce_min3A_787, %reduce_min3A_788 [1, 2, 3] : vector<1x8x8x128xi32> to vector<1xi32>
    %reduce_min3A_790 = vector.shape_cast %reduce_min3A_789 : vector<1xi32> to vector<1x1x1x1xi32>
    %reduce_min3A_791 = vector.extract %reduce_min3A_790[0, 0, 0, 0] : i32 from vector<1x1x1x1xi32>
    %eq3A_792 = arith.constant 19 : i32
    %eq3A_793 = vector.broadcast %eq3A_792 : i32 to vector<1x32xi32>
    %eq3A_794 = arith.cmpi eq, %iota3A_186, %eq3A_793 : vector<1x32xi32>
    %mul3A_795 = arith.mulf %reduce_max3A_781, %div3A_175 : f32
    %broadcast_in_dim3A_796 = vector.broadcast %mul3A_795 : f32 to vector<1x32xf32>
    %select_n3A_797 = arith.select %eq3A_794, %broadcast_in_dim3A_796, %select_n3A_766 : vector<1x32xi1>, vector<1x32xf32>
    %eq3A_798 = arith.constant 19 : i32
    %eq3A_799 = vector.broadcast %eq3A_798 : i32 to vector<1x32xi32>
    %eq3A_800 = arith.cmpi eq, %iota3A_186, %eq3A_799 : vector<1x32xi32>
    %broadcast_in_dim3A_801 = vector.broadcast %reduce_min3A_791 : i32 to vector<1x32xi32>
    %select_n3A_802 = arith.select %eq3A_800, %broadcast_in_dim3A_801, %select_n3A_771 : vector<1x32xi1>, vector<1x32xi32>
    %jit3A_803 = arith.constant 0.000000e+00 : f32
    %broadcast_in_dim3A_804 = vector.broadcast %jit3A_803 : f32 to vector<8x8x128xf32>
    %select_n3A_805 = arith.select %eq3A_783, %broadcast_in_dim3A_804, %select_n3A_774 : vector<8x8x128xi1>, vector<8x8x128xf32>
    %reduce_max3A_806 = arith.constant dense<0xFF800000> : vector<8x128xf32>
    %reduce_max3A_807 = vector.multi_reduction <maximumf>, %select_n3A_805, %reduce_max3A_806 [0] : vector<8x8x128xf32> to vector<8x128xf32>
    %reduce_max3A_808 = vector.shape_cast %reduce_max3A_807 : vector<8x128xf32> to vector<1x8x128xf32>
    %reduce_max3A_809 = arith.constant dense<0xFF800000> : vector<1xf32>
    %reduce_max3A_810 = vector.multi_reduction <maximumf>, %reduce_max3A_808, %reduce_max3A_809 [1, 2] : vector<1x8x128xf32> to vector<1xf32>
    %reduce_max3A_811 = vector.shape_cast %reduce_max3A_810 : vector<1xf32> to vector<1x1x1xf32>
    %reduce_max3A_812 = vector.extract %reduce_max3A_811[0, 0, 0] : f32 from vector<1x1x1xf32>
    %eq3A_813 = vector.broadcast %reduce_max3A_812 : f32 to vector<8x8x128xf32>
    %eq3A_814 = arith.cmpf oeq, %select_n3A_805, %eq3A_813 : vector<8x8x128xf32>
    %jit3A_815 = arith.constant 1073741824 : i32
    %broadcast_in_dim3A_816 = vector.broadcast %jit3A_815 : i32 to vector<8x8x128xi32>
    %select_n3A_817 = arith.select %eq3A_814, %add3A_185, %broadcast_in_dim3A_816 : vector<8x8x128xi1>, vector<8x8x128xi32>
    %reduce_min3A_818 = vector.shape_cast %select_n3A_817 : vector<8x8x128xi32> to vector<1x8x8x128xi32>
    %reduce_min3A_819 = arith.constant dense<2147483647> : vector<1xi32>
    %reduce_min3A_820 = vector.multi_reduction <minsi>, %reduce_min3A_818, %reduce_min3A_819 [1, 2, 3] : vector<1x8x8x128xi32> to vector<1xi32>
    %reduce_min3A_821 = vector.shape_cast %reduce_min3A_820 : vector<1xi32> to vector<1x1x1x1xi32>
    %reduce_min3A_822 = vector.extract %reduce_min3A_821[0, 0, 0, 0] : i32 from vector<1x1x1x1xi32>
    %eq3A_823 = arith.constant 20 : i32
    %eq3A_824 = vector.broadcast %eq3A_823 : i32 to vector<1x32xi32>
    %eq3A_825 = arith.cmpi eq, %iota3A_186, %eq3A_824 : vector<1x32xi32>
    %mul3A_826 = arith.mulf %reduce_max3A_812, %div3A_175 : f32
    %broadcast_in_dim3A_827 = vector.broadcast %mul3A_826 : f32 to vector<1x32xf32>
    %select_n3A_828 = arith.select %eq3A_825, %broadcast_in_dim3A_827, %select_n3A_797 : vector<1x32xi1>, vector<1x32xf32>
    %eq3A_829 = arith.constant 20 : i32
    %eq3A_830 = vector.broadcast %eq3A_829 : i32 to vector<1x32xi32>
    %eq3A_831 = arith.cmpi eq, %iota3A_186, %eq3A_830 : vector<1x32xi32>
    %broadcast_in_dim3A_832 = vector.broadcast %reduce_min3A_822 : i32 to vector<1x32xi32>
    %select_n3A_833 = arith.select %eq3A_831, %broadcast_in_dim3A_832, %select_n3A_802 : vector<1x32xi1>, vector<1x32xi32>
    %jit3A_834 = arith.constant 0.000000e+00 : f32
    %broadcast_in_dim3A_835 = vector.broadcast %jit3A_834 : f32 to vector<8x8x128xf32>
    %select_n3A_836 = arith.select %eq3A_814, %broadcast_in_dim3A_835, %select_n3A_805 : vector<8x8x128xi1>, vector<8x8x128xf32>
    %reduce_max3A_837 = arith.constant dense<0xFF800000> : vector<8x128xf32>
    %reduce_max3A_838 = vector.multi_reduction <maximumf>, %select_n3A_836, %reduce_max3A_837 [0] : vector<8x8x128xf32> to vector<8x128xf32>
    %reduce_max3A_839 = vector.shape_cast %reduce_max3A_838 : vector<8x128xf32> to vector<1x8x128xf32>
    %reduce_max3A_840 = arith.constant dense<0xFF800000> : vector<1xf32>
    %reduce_max3A_841 = vector.multi_reduction <maximumf>, %reduce_max3A_839, %reduce_max3A_840 [1, 2] : vector<1x8x128xf32> to vector<1xf32>
    %reduce_max3A_842 = vector.shape_cast %reduce_max3A_841 : vector<1xf32> to vector<1x1x1xf32>
    %reduce_max3A_843 = vector.extract %reduce_max3A_842[0, 0, 0] : f32 from vector<1x1x1xf32>
    %eq3A_844 = vector.broadcast %reduce_max3A_843 : f32 to vector<8x8x128xf32>
    %eq3A_845 = arith.cmpf oeq, %select_n3A_836, %eq3A_844 : vector<8x8x128xf32>
    %jit3A_846 = arith.constant 1073741824 : i32
    %broadcast_in_dim3A_847 = vector.broadcast %jit3A_846 : i32 to vector<8x8x128xi32>
    %select_n3A_848 = arith.select %eq3A_845, %add3A_185, %broadcast_in_dim3A_847 : vector<8x8x128xi1>, vector<8x8x128xi32>
    %reduce_min3A_849 = vector.shape_cast %select_n3A_848 : vector<8x8x128xi32> to vector<1x8x8x128xi32>
    %reduce_min3A_850 = arith.constant dense<2147483647> : vector<1xi32>
    %reduce_min3A_851 = vector.multi_reduction <minsi>, %reduce_min3A_849, %reduce_min3A_850 [1, 2, 3] : vector<1x8x8x128xi32> to vector<1xi32>
    %reduce_min3A_852 = vector.shape_cast %reduce_min3A_851 : vector<1xi32> to vector<1x1x1x1xi32>
    %reduce_min3A_853 = vector.extract %reduce_min3A_852[0, 0, 0, 0] : i32 from vector<1x1x1x1xi32>
    %eq3A_854 = arith.constant 21 : i32
    %eq3A_855 = vector.broadcast %eq3A_854 : i32 to vector<1x32xi32>
    %eq3A_856 = arith.cmpi eq, %iota3A_186, %eq3A_855 : vector<1x32xi32>
    %mul3A_857 = arith.mulf %reduce_max3A_843, %div3A_175 : f32
    %broadcast_in_dim3A_858 = vector.broadcast %mul3A_857 : f32 to vector<1x32xf32>
    %select_n3A_859 = arith.select %eq3A_856, %broadcast_in_dim3A_858, %select_n3A_828 : vector<1x32xi1>, vector<1x32xf32>
    %eq3A_860 = arith.constant 21 : i32
    %eq3A_861 = vector.broadcast %eq3A_860 : i32 to vector<1x32xi32>
    %eq3A_862 = arith.cmpi eq, %iota3A_186, %eq3A_861 : vector<1x32xi32>
    %broadcast_in_dim3A_863 = vector.broadcast %reduce_min3A_853 : i32 to vector<1x32xi32>
    %select_n3A_864 = arith.select %eq3A_862, %broadcast_in_dim3A_863, %select_n3A_833 : vector<1x32xi1>, vector<1x32xi32>
    %jit3A_865 = arith.constant 0.000000e+00 : f32
    %broadcast_in_dim3A_866 = vector.broadcast %jit3A_865 : f32 to vector<8x8x128xf32>
    %select_n3A_867 = arith.select %eq3A_845, %broadcast_in_dim3A_866, %select_n3A_836 : vector<8x8x128xi1>, vector<8x8x128xf32>
    %reduce_max3A_868 = arith.constant dense<0xFF800000> : vector<8x128xf32>
    %reduce_max3A_869 = vector.multi_reduction <maximumf>, %select_n3A_867, %reduce_max3A_868 [0] : vector<8x8x128xf32> to vector<8x128xf32>
    %reduce_max3A_870 = vector.shape_cast %reduce_max3A_869 : vector<8x128xf32> to vector<1x8x128xf32>
    %reduce_max3A_871 = arith.constant dense<0xFF800000> : vector<1xf32>
    %reduce_max3A_872 = vector.multi_reduction <maximumf>, %reduce_max3A_870, %reduce_max3A_871 [1, 2] : vector<1x8x128xf32> to vector<1xf32>
    %reduce_max3A_873 = vector.shape_cast %reduce_max3A_872 : vector<1xf32> to vector<1x1x1xf32>
    %reduce_max3A_874 = vector.extract %reduce_max3A_873[0, 0, 0] : f32 from vector<1x1x1xf32>
    %eq3A_875 = vector.broadcast %reduce_max3A_874 : f32 to vector<8x8x128xf32>
    %eq3A_876 = arith.cmpf oeq, %select_n3A_867, %eq3A_875 : vector<8x8x128xf32>
    %jit3A_877 = arith.constant 1073741824 : i32
    %broadcast_in_dim3A_878 = vector.broadcast %jit3A_877 : i32 to vector<8x8x128xi32>
    %select_n3A_879 = arith.select %eq3A_876, %add3A_185, %broadcast_in_dim3A_878 : vector<8x8x128xi1>, vector<8x8x128xi32>
    %reduce_min3A_880 = vector.shape_cast %select_n3A_879 : vector<8x8x128xi32> to vector<1x8x8x128xi32>
    %reduce_min3A_881 = arith.constant dense<2147483647> : vector<1xi32>
    %reduce_min3A_882 = vector.multi_reduction <minsi>, %reduce_min3A_880, %reduce_min3A_881 [1, 2, 3] : vector<1x8x8x128xi32> to vector<1xi32>
    %reduce_min3A_883 = vector.shape_cast %reduce_min3A_882 : vector<1xi32> to vector<1x1x1x1xi32>
    %reduce_min3A_884 = vector.extract %reduce_min3A_883[0, 0, 0, 0] : i32 from vector<1x1x1x1xi32>
    %eq3A_885 = arith.constant 22 : i32
    %eq3A_886 = vector.broadcast %eq3A_885 : i32 to vector<1x32xi32>
    %eq3A_887 = arith.cmpi eq, %iota3A_186, %eq3A_886 : vector<1x32xi32>
    %mul3A_888 = arith.mulf %reduce_max3A_874, %div3A_175 : f32
    %broadcast_in_dim3A_889 = vector.broadcast %mul3A_888 : f32 to vector<1x32xf32>
    %select_n3A_890 = arith.select %eq3A_887, %broadcast_in_dim3A_889, %select_n3A_859 : vector<1x32xi1>, vector<1x32xf32>
    %eq3A_891 = arith.constant 22 : i32
    %eq3A_892 = vector.broadcast %eq3A_891 : i32 to vector<1x32xi32>
    %eq3A_893 = arith.cmpi eq, %iota3A_186, %eq3A_892 : vector<1x32xi32>
    %broadcast_in_dim3A_894 = vector.broadcast %reduce_min3A_884 : i32 to vector<1x32xi32>
    %select_n3A_895 = arith.select %eq3A_893, %broadcast_in_dim3A_894, %select_n3A_864 : vector<1x32xi1>, vector<1x32xi32>
    %jit3A_896 = arith.constant 0.000000e+00 : f32
    %broadcast_in_dim3A_897 = vector.broadcast %jit3A_896 : f32 to vector<8x8x128xf32>
    %select_n3A_898 = arith.select %eq3A_876, %broadcast_in_dim3A_897, %select_n3A_867 : vector<8x8x128xi1>, vector<8x8x128xf32>
    %reduce_max3A_899 = arith.constant dense<0xFF800000> : vector<8x128xf32>
    %reduce_max3A_900 = vector.multi_reduction <maximumf>, %select_n3A_898, %reduce_max3A_899 [0] : vector<8x8x128xf32> to vector<8x128xf32>
    %reduce_max3A_901 = vector.shape_cast %reduce_max3A_900 : vector<8x128xf32> to vector<1x8x128xf32>
    %reduce_max3A_902 = arith.constant dense<0xFF800000> : vector<1xf32>
    %reduce_max3A_903 = vector.multi_reduction <maximumf>, %reduce_max3A_901, %reduce_max3A_902 [1, 2] : vector<1x8x128xf32> to vector<1xf32>
    %reduce_max3A_904 = vector.shape_cast %reduce_max3A_903 : vector<1xf32> to vector<1x1x1xf32>
    %reduce_max3A_905 = vector.extract %reduce_max3A_904[0, 0, 0] : f32 from vector<1x1x1xf32>
    %eq3A_906 = vector.broadcast %reduce_max3A_905 : f32 to vector<8x8x128xf32>
    %eq3A_907 = arith.cmpf oeq, %select_n3A_898, %eq3A_906 : vector<8x8x128xf32>
    %jit3A_908 = arith.constant 1073741824 : i32
    %broadcast_in_dim3A_909 = vector.broadcast %jit3A_908 : i32 to vector<8x8x128xi32>
    %select_n3A_910 = arith.select %eq3A_907, %add3A_185, %broadcast_in_dim3A_909 : vector<8x8x128xi1>, vector<8x8x128xi32>
    %reduce_min3A_911 = vector.shape_cast %select_n3A_910 : vector<8x8x128xi32> to vector<1x8x8x128xi32>
    %reduce_min3A_912 = arith.constant dense<2147483647> : vector<1xi32>
    %reduce_min3A_913 = vector.multi_reduction <minsi>, %reduce_min3A_911, %reduce_min3A_912 [1, 2, 3] : vector<1x8x8x128xi32> to vector<1xi32>
    %reduce_min3A_914 = vector.shape_cast %reduce_min3A_913 : vector<1xi32> to vector<1x1x1x1xi32>
    %reduce_min3A_915 = vector.extract %reduce_min3A_914[0, 0, 0, 0] : i32 from vector<1x1x1x1xi32>
    %eq3A_916 = arith.constant 23 : i32
    %eq3A_917 = vector.broadcast %eq3A_916 : i32 to vector<1x32xi32>
    %eq3A_918 = arith.cmpi eq, %iota3A_186, %eq3A_917 : vector<1x32xi32>
    %mul3A_919 = arith.mulf %reduce_max3A_905, %div3A_175 : f32
    %broadcast_in_dim3A_920 = vector.broadcast %mul3A_919 : f32 to vector<1x32xf32>
    %select_n3A_921 = arith.select %eq3A_918, %broadcast_in_dim3A_920, %select_n3A_890 : vector<1x32xi1>, vector<1x32xf32>
    %eq3A_922 = arith.constant 23 : i32
    %eq3A_923 = vector.broadcast %eq3A_922 : i32 to vector<1x32xi32>
    %eq3A_924 = arith.cmpi eq, %iota3A_186, %eq3A_923 : vector<1x32xi32>
    %broadcast_in_dim3A_925 = vector.broadcast %reduce_min3A_915 : i32 to vector<1x32xi32>
    %select_n3A_926 = arith.select %eq3A_924, %broadcast_in_dim3A_925, %select_n3A_895 : vector<1x32xi1>, vector<1x32xi32>
    %jit3A_927 = arith.constant 0.000000e+00 : f32
    %broadcast_in_dim3A_928 = vector.broadcast %jit3A_927 : f32 to vector<8x8x128xf32>
    %select_n3A_929 = arith.select %eq3A_907, %broadcast_in_dim3A_928, %select_n3A_898 : vector<8x8x128xi1>, vector<8x8x128xf32>
    %reduce_max3A_930 = arith.constant dense<0xFF800000> : vector<8x128xf32>
    %reduce_max3A_931 = vector.multi_reduction <maximumf>, %select_n3A_929, %reduce_max3A_930 [0] : vector<8x8x128xf32> to vector<8x128xf32>
    %reduce_max3A_932 = vector.shape_cast %reduce_max3A_931 : vector<8x128xf32> to vector<1x8x128xf32>
    %reduce_max3A_933 = arith.constant dense<0xFF800000> : vector<1xf32>
    %reduce_max3A_934 = vector.multi_reduction <maximumf>, %reduce_max3A_932, %reduce_max3A_933 [1, 2] : vector<1x8x128xf32> to vector<1xf32>
    %reduce_max3A_935 = vector.shape_cast %reduce_max3A_934 : vector<1xf32> to vector<1x1x1xf32>
    %reduce_max3A_936 = vector.extract %reduce_max3A_935[0, 0, 0] : f32 from vector<1x1x1xf32>
    %eq3A_937 = vector.broadcast %reduce_max3A_936 : f32 to vector<8x8x128xf32>
    %eq3A_938 = arith.cmpf oeq, %select_n3A_929, %eq3A_937 : vector<8x8x128xf32>
    %jit3A_939 = arith.constant 1073741824 : i32
    %broadcast_in_dim3A_940 = vector.broadcast %jit3A_939 : i32 to vector<8x8x128xi32>
    %select_n3A_941 = arith.select %eq3A_938, %add3A_185, %broadcast_in_dim3A_940 : vector<8x8x128xi1>, vector<8x8x128xi32>
    %reduce_min3A_942 = vector.shape_cast %select_n3A_941 : vector<8x8x128xi32> to vector<1x8x8x128xi32>
    %reduce_min3A_943 = arith.constant dense<2147483647> : vector<1xi32>
    %reduce_min3A_944 = vector.multi_reduction <minsi>, %reduce_min3A_942, %reduce_min3A_943 [1, 2, 3] : vector<1x8x8x128xi32> to vector<1xi32>
    %reduce_min3A_945 = vector.shape_cast %reduce_min3A_944 : vector<1xi32> to vector<1x1x1x1xi32>
    %reduce_min3A_946 = vector.extract %reduce_min3A_945[0, 0, 0, 0] : i32 from vector<1x1x1x1xi32>
    %eq3A_947 = arith.constant 24 : i32
    %eq3A_948 = vector.broadcast %eq3A_947 : i32 to vector<1x32xi32>
    %eq3A_949 = arith.cmpi eq, %iota3A_186, %eq3A_948 : vector<1x32xi32>
    %mul3A_950 = arith.mulf %reduce_max3A_936, %div3A_175 : f32
    %broadcast_in_dim3A_951 = vector.broadcast %mul3A_950 : f32 to vector<1x32xf32>
    %select_n3A_952 = arith.select %eq3A_949, %broadcast_in_dim3A_951, %select_n3A_921 : vector<1x32xi1>, vector<1x32xf32>
    %eq3A_953 = arith.constant 24 : i32
    %eq3A_954 = vector.broadcast %eq3A_953 : i32 to vector<1x32xi32>
    %eq3A_955 = arith.cmpi eq, %iota3A_186, %eq3A_954 : vector<1x32xi32>
    %broadcast_in_dim3A_956 = vector.broadcast %reduce_min3A_946 : i32 to vector<1x32xi32>
    %select_n3A_957 = arith.select %eq3A_955, %broadcast_in_dim3A_956, %select_n3A_926 : vector<1x32xi1>, vector<1x32xi32>
    %jit3A_958 = arith.constant 0.000000e+00 : f32
    %broadcast_in_dim3A_959 = vector.broadcast %jit3A_958 : f32 to vector<8x8x128xf32>
    %select_n3A_960 = arith.select %eq3A_938, %broadcast_in_dim3A_959, %select_n3A_929 : vector<8x8x128xi1>, vector<8x8x128xf32>
    %reduce_max3A_961 = arith.constant dense<0xFF800000> : vector<8x128xf32>
    %reduce_max3A_962 = vector.multi_reduction <maximumf>, %select_n3A_960, %reduce_max3A_961 [0] : vector<8x8x128xf32> to vector<8x128xf32>
    %reduce_max3A_963 = vector.shape_cast %reduce_max3A_962 : vector<8x128xf32> to vector<1x8x128xf32>
    %reduce_max3A_964 = arith.constant dense<0xFF800000> : vector<1xf32>
    %reduce_max3A_965 = vector.multi_reduction <maximumf>, %reduce_max3A_963, %reduce_max3A_964 [1, 2] : vector<1x8x128xf32> to vector<1xf32>
    %reduce_max3A_966 = vector.shape_cast %reduce_max3A_965 : vector<1xf32> to vector<1x1x1xf32>
    %reduce_max3A_967 = vector.extract %reduce_max3A_966[0, 0, 0] : f32 from vector<1x1x1xf32>
    %eq3A_968 = vector.broadcast %reduce_max3A_967 : f32 to vector<8x8x128xf32>
    %eq3A_969 = arith.cmpf oeq, %select_n3A_960, %eq3A_968 : vector<8x8x128xf32>
    %jit3A_970 = arith.constant 1073741824 : i32
    %broadcast_in_dim3A_971 = vector.broadcast %jit3A_970 : i32 to vector<8x8x128xi32>
    %select_n3A_972 = arith.select %eq3A_969, %add3A_185, %broadcast_in_dim3A_971 : vector<8x8x128xi1>, vector<8x8x128xi32>
    %reduce_min3A_973 = vector.shape_cast %select_n3A_972 : vector<8x8x128xi32> to vector<1x8x8x128xi32>
    %reduce_min3A_974 = arith.constant dense<2147483647> : vector<1xi32>
    %reduce_min3A_975 = vector.multi_reduction <minsi>, %reduce_min3A_973, %reduce_min3A_974 [1, 2, 3] : vector<1x8x8x128xi32> to vector<1xi32>
    %reduce_min3A_976 = vector.shape_cast %reduce_min3A_975 : vector<1xi32> to vector<1x1x1x1xi32>
    %reduce_min3A_977 = vector.extract %reduce_min3A_976[0, 0, 0, 0] : i32 from vector<1x1x1x1xi32>
    %eq3A_978 = arith.constant 25 : i32
    %eq3A_979 = vector.broadcast %eq3A_978 : i32 to vector<1x32xi32>
    %eq3A_980 = arith.cmpi eq, %iota3A_186, %eq3A_979 : vector<1x32xi32>
    %mul3A_981 = arith.mulf %reduce_max3A_967, %div3A_175 : f32
    %broadcast_in_dim3A_982 = vector.broadcast %mul3A_981 : f32 to vector<1x32xf32>
    %select_n3A_983 = arith.select %eq3A_980, %broadcast_in_dim3A_982, %select_n3A_952 : vector<1x32xi1>, vector<1x32xf32>
    %eq3A_984 = arith.constant 25 : i32
    %eq3A_985 = vector.broadcast %eq3A_984 : i32 to vector<1x32xi32>
    %eq3A_986 = arith.cmpi eq, %iota3A_186, %eq3A_985 : vector<1x32xi32>
    %broadcast_in_dim3A_987 = vector.broadcast %reduce_min3A_977 : i32 to vector<1x32xi32>
    %select_n3A_988 = arith.select %eq3A_986, %broadcast_in_dim3A_987, %select_n3A_957 : vector<1x32xi1>, vector<1x32xi32>
    %jit3A_989 = arith.constant 0.000000e+00 : f32
    %broadcast_in_dim3A_990 = vector.broadcast %jit3A_989 : f32 to vector<8x8x128xf32>
    %select_n3A_991 = arith.select %eq3A_969, %broadcast_in_dim3A_990, %select_n3A_960 : vector<8x8x128xi1>, vector<8x8x128xf32>
    %reduce_max3A_992 = arith.constant dense<0xFF800000> : vector<8x128xf32>
    %reduce_max3A_993 = vector.multi_reduction <maximumf>, %select_n3A_991, %reduce_max3A_992 [0] : vector<8x8x128xf32> to vector<8x128xf32>
    %reduce_max3A_994 = vector.shape_cast %reduce_max3A_993 : vector<8x128xf32> to vector<1x8x128xf32>
    %reduce_max3A_995 = arith.constant dense<0xFF800000> : vector<1xf32>
    %reduce_max3A_996 = vector.multi_reduction <maximumf>, %reduce_max3A_994, %reduce_max3A_995 [1, 2] : vector<1x8x128xf32> to vector<1xf32>
    %reduce_max3A_997 = vector.shape_cast %reduce_max3A_996 : vector<1xf32> to vector<1x1x1xf32>
    %reduce_max3A_998 = vector.extract %reduce_max3A_997[0, 0, 0] : f32 from vector<1x1x1xf32>
    %eq3A_999 = vector.broadcast %reduce_max3A_998 : f32 to vector<8x8x128xf32>
    %eq3A_1000 = arith.cmpf oeq, %select_n3A_991, %eq3A_999 : vector<8x8x128xf32>
    %jit3A_1001 = arith.constant 1073741824 : i32
    %broadcast_in_dim3A_1002 = vector.broadcast %jit3A_1001 : i32 to vector<8x8x128xi32>
    %select_n3A_1003 = arith.select %eq3A_1000, %add3A_185, %broadcast_in_dim3A_1002 : vector<8x8x128xi1>, vector<8x8x128xi32>
    %reduce_min3A_1004 = vector.shape_cast %select_n3A_1003 : vector<8x8x128xi32> to vector<1x8x8x128xi32>
    %reduce_min3A_1005 = arith.constant dense<2147483647> : vector<1xi32>
    %reduce_min3A_1006 = vector.multi_reduction <minsi>, %reduce_min3A_1004, %reduce_min3A_1005 [1, 2, 3] : vector<1x8x8x128xi32> to vector<1xi32>
    %reduce_min3A_1007 = vector.shape_cast %reduce_min3A_1006 : vector<1xi32> to vector<1x1x1x1xi32>
    %reduce_min3A_1008 = vector.extract %reduce_min3A_1007[0, 0, 0, 0] : i32 from vector<1x1x1x1xi32>
    %eq3A_1009 = arith.constant 26 : i32
    %eq3A_1010 = vector.broadcast %eq3A_1009 : i32 to vector<1x32xi32>
    %eq3A_1011 = arith.cmpi eq, %iota3A_186, %eq3A_1010 : vector<1x32xi32>
    %mul3A_1012 = arith.mulf %reduce_max3A_998, %div3A_175 : f32
    %broadcast_in_dim3A_1013 = vector.broadcast %mul3A_1012 : f32 to vector<1x32xf32>
    %select_n3A_1014 = arith.select %eq3A_1011, %broadcast_in_dim3A_1013, %select_n3A_983 : vector<1x32xi1>, vector<1x32xf32>
    %eq3A_1015 = arith.constant 26 : i32
    %eq3A_1016 = vector.broadcast %eq3A_1015 : i32 to vector<1x32xi32>
    %eq3A_1017 = arith.cmpi eq, %iota3A_186, %eq3A_1016 : vector<1x32xi32>
    %broadcast_in_dim3A_1018 = vector.broadcast %reduce_min3A_1008 : i32 to vector<1x32xi32>
    %select_n3A_1019 = arith.select %eq3A_1017, %broadcast_in_dim3A_1018, %select_n3A_988 : vector<1x32xi1>, vector<1x32xi32>
    %jit3A_1020 = arith.constant 0.000000e+00 : f32
    %broadcast_in_dim3A_1021 = vector.broadcast %jit3A_1020 : f32 to vector<8x8x128xf32>
    %select_n3A_1022 = arith.select %eq3A_1000, %broadcast_in_dim3A_1021, %select_n3A_991 : vector<8x8x128xi1>, vector<8x8x128xf32>
    %reduce_max3A_1023 = arith.constant dense<0xFF800000> : vector<8x128xf32>
    %reduce_max3A_1024 = vector.multi_reduction <maximumf>, %select_n3A_1022, %reduce_max3A_1023 [0] : vector<8x8x128xf32> to vector<8x128xf32>
    %reduce_max3A_1025 = vector.shape_cast %reduce_max3A_1024 : vector<8x128xf32> to vector<1x8x128xf32>
    %reduce_max3A_1026 = arith.constant dense<0xFF800000> : vector<1xf32>
    %reduce_max3A_1027 = vector.multi_reduction <maximumf>, %reduce_max3A_1025, %reduce_max3A_1026 [1, 2] : vector<1x8x128xf32> to vector<1xf32>
    %reduce_max3A_1028 = vector.shape_cast %reduce_max3A_1027 : vector<1xf32> to vector<1x1x1xf32>
    %reduce_max3A_1029 = vector.extract %reduce_max3A_1028[0, 0, 0] : f32 from vector<1x1x1xf32>
    %eq3A_1030 = vector.broadcast %reduce_max3A_1029 : f32 to vector<8x8x128xf32>
    %eq3A_1031 = arith.cmpf oeq, %select_n3A_1022, %eq3A_1030 : vector<8x8x128xf32>
    %jit3A_1032 = arith.constant 1073741824 : i32
    %broadcast_in_dim3A_1033 = vector.broadcast %jit3A_1032 : i32 to vector<8x8x128xi32>
    %select_n3A_1034 = arith.select %eq3A_1031, %add3A_185, %broadcast_in_dim3A_1033 : vector<8x8x128xi1>, vector<8x8x128xi32>
    %reduce_min3A_1035 = vector.shape_cast %select_n3A_1034 : vector<8x8x128xi32> to vector<1x8x8x128xi32>
    %reduce_min3A_1036 = arith.constant dense<2147483647> : vector<1xi32>
    %reduce_min3A_1037 = vector.multi_reduction <minsi>, %reduce_min3A_1035, %reduce_min3A_1036 [1, 2, 3] : vector<1x8x8x128xi32> to vector<1xi32>
    %reduce_min3A_1038 = vector.shape_cast %reduce_min3A_1037 : vector<1xi32> to vector<1x1x1x1xi32>
    %reduce_min3A_1039 = vector.extract %reduce_min3A_1038[0, 0, 0, 0] : i32 from vector<1x1x1x1xi32>
    %eq3A_1040 = arith.constant 27 : i32
    %eq3A_1041 = vector.broadcast %eq3A_1040 : i32 to vector<1x32xi32>
    %eq3A_1042 = arith.cmpi eq, %iota3A_186, %eq3A_1041 : vector<1x32xi32>
    %mul3A_1043 = arith.mulf %reduce_max3A_1029, %div3A_175 : f32
    %broadcast_in_dim3A_1044 = vector.broadcast %mul3A_1043 : f32 to vector<1x32xf32>
    %select_n3A_1045 = arith.select %eq3A_1042, %broadcast_in_dim3A_1044, %select_n3A_1014 : vector<1x32xi1>, vector<1x32xf32>
    %eq3A_1046 = arith.constant 27 : i32
    %eq3A_1047 = vector.broadcast %eq3A_1046 : i32 to vector<1x32xi32>
    %eq3A_1048 = arith.cmpi eq, %iota3A_186, %eq3A_1047 : vector<1x32xi32>
    %broadcast_in_dim3A_1049 = vector.broadcast %reduce_min3A_1039 : i32 to vector<1x32xi32>
    %select_n3A_1050 = arith.select %eq3A_1048, %broadcast_in_dim3A_1049, %select_n3A_1019 : vector<1x32xi1>, vector<1x32xi32>
    %jit3A_1051 = arith.constant 0.000000e+00 : f32
    %broadcast_in_dim3A_1052 = vector.broadcast %jit3A_1051 : f32 to vector<8x8x128xf32>
    %select_n3A_1053 = arith.select %eq3A_1031, %broadcast_in_dim3A_1052, %select_n3A_1022 : vector<8x8x128xi1>, vector<8x8x128xf32>
    %reduce_max3A_1054 = arith.constant dense<0xFF800000> : vector<8x128xf32>
    %reduce_max3A_1055 = vector.multi_reduction <maximumf>, %select_n3A_1053, %reduce_max3A_1054 [0] : vector<8x8x128xf32> to vector<8x128xf32>
    %reduce_max3A_1056 = vector.shape_cast %reduce_max3A_1055 : vector<8x128xf32> to vector<1x8x128xf32>
    %reduce_max3A_1057 = arith.constant dense<0xFF800000> : vector<1xf32>
    %reduce_max3A_1058 = vector.multi_reduction <maximumf>, %reduce_max3A_1056, %reduce_max3A_1057 [1, 2] : vector<1x8x128xf32> to vector<1xf32>
    %reduce_max3A_1059 = vector.shape_cast %reduce_max3A_1058 : vector<1xf32> to vector<1x1x1xf32>
    %reduce_max3A_1060 = vector.extract %reduce_max3A_1059[0, 0, 0] : f32 from vector<1x1x1xf32>
    %eq3A_1061 = vector.broadcast %reduce_max3A_1060 : f32 to vector<8x8x128xf32>
    %eq3A_1062 = arith.cmpf oeq, %select_n3A_1053, %eq3A_1061 : vector<8x8x128xf32>
    %jit3A_1063 = arith.constant 1073741824 : i32
    %broadcast_in_dim3A_1064 = vector.broadcast %jit3A_1063 : i32 to vector<8x8x128xi32>
    %select_n3A_1065 = arith.select %eq3A_1062, %add3A_185, %broadcast_in_dim3A_1064 : vector<8x8x128xi1>, vector<8x8x128xi32>
    %reduce_min3A_1066 = vector.shape_cast %select_n3A_1065 : vector<8x8x128xi32> to vector<1x8x8x128xi32>
    %reduce_min3A_1067 = arith.constant dense<2147483647> : vector<1xi32>
    %reduce_min3A_1068 = vector.multi_reduction <minsi>, %reduce_min3A_1066, %reduce_min3A_1067 [1, 2, 3] : vector<1x8x8x128xi32> to vector<1xi32>
    %reduce_min3A_1069 = vector.shape_cast %reduce_min3A_1068 : vector<1xi32> to vector<1x1x1x1xi32>
    %reduce_min3A_1070 = vector.extract %reduce_min3A_1069[0, 0, 0, 0] : i32 from vector<1x1x1x1xi32>
    %eq3A_1071 = arith.constant 28 : i32
    %eq3A_1072 = vector.broadcast %eq3A_1071 : i32 to vector<1x32xi32>
    %eq3A_1073 = arith.cmpi eq, %iota3A_186, %eq3A_1072 : vector<1x32xi32>
    %mul3A_1074 = arith.mulf %reduce_max3A_1060, %div3A_175 : f32
    %broadcast_in_dim3A_1075 = vector.broadcast %mul3A_1074 : f32 to vector<1x32xf32>
    %select_n3A_1076 = arith.select %eq3A_1073, %broadcast_in_dim3A_1075, %select_n3A_1045 : vector<1x32xi1>, vector<1x32xf32>
    %eq3A_1077 = arith.constant 28 : i32
    %eq3A_1078 = vector.broadcast %eq3A_1077 : i32 to vector<1x32xi32>
    %eq3A_1079 = arith.cmpi eq, %iota3A_186, %eq3A_1078 : vector<1x32xi32>
    %broadcast_in_dim3A_1080 = vector.broadcast %reduce_min3A_1070 : i32 to vector<1x32xi32>
    %select_n3A_1081 = arith.select %eq3A_1079, %broadcast_in_dim3A_1080, %select_n3A_1050 : vector<1x32xi1>, vector<1x32xi32>
    %jit3A_1082 = arith.constant 0.000000e+00 : f32
    %broadcast_in_dim3A_1083 = vector.broadcast %jit3A_1082 : f32 to vector<8x8x128xf32>
    %select_n3A_1084 = arith.select %eq3A_1062, %broadcast_in_dim3A_1083, %select_n3A_1053 : vector<8x8x128xi1>, vector<8x8x128xf32>
    %reduce_max3A_1085 = arith.constant dense<0xFF800000> : vector<8x128xf32>
    %reduce_max3A_1086 = vector.multi_reduction <maximumf>, %select_n3A_1084, %reduce_max3A_1085 [0] : vector<8x8x128xf32> to vector<8x128xf32>
    %reduce_max3A_1087 = vector.shape_cast %reduce_max3A_1086 : vector<8x128xf32> to vector<1x8x128xf32>
    %reduce_max3A_1088 = arith.constant dense<0xFF800000> : vector<1xf32>
    %reduce_max3A_1089 = vector.multi_reduction <maximumf>, %reduce_max3A_1087, %reduce_max3A_1088 [1, 2] : vector<1x8x128xf32> to vector<1xf32>
    %reduce_max3A_1090 = vector.shape_cast %reduce_max3A_1089 : vector<1xf32> to vector<1x1x1xf32>
    %reduce_max3A_1091 = vector.extract %reduce_max3A_1090[0, 0, 0] : f32 from vector<1x1x1xf32>
    %eq3A_1092 = vector.broadcast %reduce_max3A_1091 : f32 to vector<8x8x128xf32>
    %eq3A_1093 = arith.cmpf oeq, %select_n3A_1084, %eq3A_1092 : vector<8x8x128xf32>
    %jit3A_1094 = arith.constant 1073741824 : i32
    %broadcast_in_dim3A_1095 = vector.broadcast %jit3A_1094 : i32 to vector<8x8x128xi32>
    %select_n3A_1096 = arith.select %eq3A_1093, %add3A_185, %broadcast_in_dim3A_1095 : vector<8x8x128xi1>, vector<8x8x128xi32>
    %reduce_min3A_1097 = vector.shape_cast %select_n3A_1096 : vector<8x8x128xi32> to vector<1x8x8x128xi32>
    %reduce_min3A_1098 = arith.constant dense<2147483647> : vector<1xi32>
    %reduce_min3A_1099 = vector.multi_reduction <minsi>, %reduce_min3A_1097, %reduce_min3A_1098 [1, 2, 3] : vector<1x8x8x128xi32> to vector<1xi32>
    %reduce_min3A_1100 = vector.shape_cast %reduce_min3A_1099 : vector<1xi32> to vector<1x1x1x1xi32>
    %reduce_min3A_1101 = vector.extract %reduce_min3A_1100[0, 0, 0, 0] : i32 from vector<1x1x1x1xi32>
    %eq3A_1102 = arith.constant 29 : i32
    %eq3A_1103 = vector.broadcast %eq3A_1102 : i32 to vector<1x32xi32>
    %eq3A_1104 = arith.cmpi eq, %iota3A_186, %eq3A_1103 : vector<1x32xi32>
    %mul3A_1105 = arith.mulf %reduce_max3A_1091, %div3A_175 : f32
    %broadcast_in_dim3A_1106 = vector.broadcast %mul3A_1105 : f32 to vector<1x32xf32>
    %select_n3A_1107 = arith.select %eq3A_1104, %broadcast_in_dim3A_1106, %select_n3A_1076 : vector<1x32xi1>, vector<1x32xf32>
    %eq3A_1108 = arith.constant 29 : i32
    %eq3A_1109 = vector.broadcast %eq3A_1108 : i32 to vector<1x32xi32>
    %eq3A_1110 = arith.cmpi eq, %iota3A_186, %eq3A_1109 : vector<1x32xi32>
    %broadcast_in_dim3A_1111 = vector.broadcast %reduce_min3A_1101 : i32 to vector<1x32xi32>
    %select_n3A_1112 = arith.select %eq3A_1110, %broadcast_in_dim3A_1111, %select_n3A_1081 : vector<1x32xi1>, vector<1x32xi32>
    %jit3A_1113 = arith.constant 0.000000e+00 : f32
    %broadcast_in_dim3A_1114 = vector.broadcast %jit3A_1113 : f32 to vector<8x8x128xf32>
    %select_n3A_1115 = arith.select %eq3A_1093, %broadcast_in_dim3A_1114, %select_n3A_1084 : vector<8x8x128xi1>, vector<8x8x128xf32>
    %reduce_max3A_1116 = arith.constant dense<0xFF800000> : vector<8x128xf32>
    %reduce_max3A_1117 = vector.multi_reduction <maximumf>, %select_n3A_1115, %reduce_max3A_1116 [0] : vector<8x8x128xf32> to vector<8x128xf32>
    %reduce_max3A_1118 = vector.shape_cast %reduce_max3A_1117 : vector<8x128xf32> to vector<1x8x128xf32>
    %reduce_max3A_1119 = arith.constant dense<0xFF800000> : vector<1xf32>
    %reduce_max3A_1120 = vector.multi_reduction <maximumf>, %reduce_max3A_1118, %reduce_max3A_1119 [1, 2] : vector<1x8x128xf32> to vector<1xf32>
    %reduce_max3A_1121 = vector.shape_cast %reduce_max3A_1120 : vector<1xf32> to vector<1x1x1xf32>
    %reduce_max3A_1122 = vector.extract %reduce_max3A_1121[0, 0, 0] : f32 from vector<1x1x1xf32>
    %eq3A_1123 = vector.broadcast %reduce_max3A_1122 : f32 to vector<8x8x128xf32>
    %eq3A_1124 = arith.cmpf oeq, %select_n3A_1115, %eq3A_1123 : vector<8x8x128xf32>
    %jit3A_1125 = arith.constant 1073741824 : i32
    %broadcast_in_dim3A_1126 = vector.broadcast %jit3A_1125 : i32 to vector<8x8x128xi32>
    %select_n3A_1127 = arith.select %eq3A_1124, %add3A_185, %broadcast_in_dim3A_1126 : vector<8x8x128xi1>, vector<8x8x128xi32>
    %reduce_min3A_1128 = vector.shape_cast %select_n3A_1127 : vector<8x8x128xi32> to vector<1x8x8x128xi32>
    %reduce_min3A_1129 = arith.constant dense<2147483647> : vector<1xi32>
    %reduce_min3A_1130 = vector.multi_reduction <minsi>, %reduce_min3A_1128, %reduce_min3A_1129 [1, 2, 3] : vector<1x8x8x128xi32> to vector<1xi32>
    %reduce_min3A_1131 = vector.shape_cast %reduce_min3A_1130 : vector<1xi32> to vector<1x1x1x1xi32>
    %reduce_min3A_1132 = vector.extract %reduce_min3A_1131[0, 0, 0, 0] : i32 from vector<1x1x1x1xi32>
    %eq3A_1133 = arith.constant 30 : i32
    %eq3A_1134 = vector.broadcast %eq3A_1133 : i32 to vector<1x32xi32>
    %eq3A_1135 = arith.cmpi eq, %iota3A_186, %eq3A_1134 : vector<1x32xi32>
    %mul3A_1136 = arith.mulf %reduce_max3A_1122, %div3A_175 : f32
    %broadcast_in_dim3A_1137 = vector.broadcast %mul3A_1136 : f32 to vector<1x32xf32>
    %select_n3A_1138 = arith.select %eq3A_1135, %broadcast_in_dim3A_1137, %select_n3A_1107 : vector<1x32xi1>, vector<1x32xf32>
    %eq3A_1139 = arith.constant 30 : i32
    %eq3A_1140 = vector.broadcast %eq3A_1139 : i32 to vector<1x32xi32>
    %eq3A_1141 = arith.cmpi eq, %iota3A_186, %eq3A_1140 : vector<1x32xi32>
    %broadcast_in_dim3A_1142 = vector.broadcast %reduce_min3A_1132 : i32 to vector<1x32xi32>
    %select_n3A_1143 = arith.select %eq3A_1141, %broadcast_in_dim3A_1142, %select_n3A_1112 : vector<1x32xi1>, vector<1x32xi32>
    %jit3A_1144 = arith.constant 0.000000e+00 : f32
    %broadcast_in_dim3A_1145 = vector.broadcast %jit3A_1144 : f32 to vector<8x8x128xf32>
    %select_n3A_1146 = arith.select %eq3A_1124, %broadcast_in_dim3A_1145, %select_n3A_1115 : vector<8x8x128xi1>, vector<8x8x128xf32>
    %reduce_max3A_1147 = arith.constant dense<0xFF800000> : vector<8x128xf32>
    %reduce_max3A_1148 = vector.multi_reduction <maximumf>, %select_n3A_1146, %reduce_max3A_1147 [0] : vector<8x8x128xf32> to vector<8x128xf32>
    %reduce_max3A_1149 = vector.shape_cast %reduce_max3A_1148 : vector<8x128xf32> to vector<1x8x128xf32>
    %reduce_max3A_1150 = arith.constant dense<0xFF800000> : vector<1xf32>
    %reduce_max3A_1151 = vector.multi_reduction <maximumf>, %reduce_max3A_1149, %reduce_max3A_1150 [1, 2] : vector<1x8x128xf32> to vector<1xf32>
    %reduce_max3A_1152 = vector.shape_cast %reduce_max3A_1151 : vector<1xf32> to vector<1x1x1xf32>
    %reduce_max3A_1153 = vector.extract %reduce_max3A_1152[0, 0, 0] : f32 from vector<1x1x1xf32>
    %eq3A_1154 = vector.broadcast %reduce_max3A_1153 : f32 to vector<8x8x128xf32>
    %eq3A_1155 = arith.cmpf oeq, %select_n3A_1146, %eq3A_1154 : vector<8x8x128xf32>
    %jit3A_1156 = arith.constant 1073741824 : i32
    %broadcast_in_dim3A_1157 = vector.broadcast %jit3A_1156 : i32 to vector<8x8x128xi32>
    %select_n3A_1158 = arith.select %eq3A_1155, %add3A_185, %broadcast_in_dim3A_1157 : vector<8x8x128xi1>, vector<8x8x128xi32>
    %reduce_min3A_1159 = vector.shape_cast %select_n3A_1158 : vector<8x8x128xi32> to vector<1x8x8x128xi32>
    %reduce_min3A_1160 = arith.constant dense<2147483647> : vector<1xi32>
    %reduce_min3A_1161 = vector.multi_reduction <minsi>, %reduce_min3A_1159, %reduce_min3A_1160 [1, 2, 3] : vector<1x8x8x128xi32> to vector<1xi32>
    %reduce_min3A_1162 = vector.shape_cast %reduce_min3A_1161 : vector<1xi32> to vector<1x1x1x1xi32>
    %reduce_min3A_1163 = vector.extract %reduce_min3A_1162[0, 0, 0, 0] : i32 from vector<1x1x1x1xi32>
    %eq3A_1164 = arith.constant 31 : i32
    %eq3A_1165 = vector.broadcast %eq3A_1164 : i32 to vector<1x32xi32>
    %eq3A_1166 = arith.cmpi eq, %iota3A_186, %eq3A_1165 : vector<1x32xi32>
    %mul3A_1167 = arith.mulf %reduce_max3A_1153, %div3A_175 : f32
    %broadcast_in_dim3A_1168 = vector.broadcast %mul3A_1167 : f32 to vector<1x32xf32>
    %select_n3A_1169 = arith.select %eq3A_1166, %broadcast_in_dim3A_1168, %select_n3A_1138 : vector<1x32xi1>, vector<1x32xf32>
    %eq3A_1170 = arith.constant 31 : i32
    %eq3A_1171 = vector.broadcast %eq3A_1170 : i32 to vector<1x32xi32>
    %eq3A_1172 = arith.cmpi eq, %iota3A_186, %eq3A_1171 : vector<1x32xi32>
    %broadcast_in_dim3A_1173 = vector.broadcast %reduce_min3A_1163 : i32 to vector<1x32xi32>
    %select_n3A_1174 = arith.select %eq3A_1172, %broadcast_in_dim3A_1173, %select_n3A_1143 : vector<1x32xi1>, vector<1x32xi32>
    %swap3A_1175 = arith.constant 0 : index
    %swap3A_1176 = arith.constant 0 : index
    %swap3A_1177 = vector.load %arg5[%swap3A_1175, %swap3A_1176] : memref<1x32xf32, #tpu.memory_space<vmem>>, vector<1x32xf32>
    tpu.vector_store %arg5[%swap3A_1175, %swap3A_1176], %select_n3A_1169 {strides = array<i32>} : memref<1x32xf32, #tpu.memory_space<vmem>>, vector<1x32xf32>,
    %swap3A_1178 = arith.constant 0 : index
    %swap3A_1179 = arith.constant 0 : index
    %swap3A_1180 = vector.load %arg6[%swap3A_1178, %swap3A_1179] : memref<1x32xi32, #tpu.memory_space<vmem>>, vector<1x32xi32>
    tpu.vector_store %arg6[%swap3A_1178, %swap3A_1179], %select_n3A_1174 {strides = array<i32>} : memref<1x32xi32, #tpu.memory_space<vmem>>, vector<1x32xi32>,
    return
  }
}

</mosaic_0001>

<sc_bundles>
// kernel: kernel.5.cloned.1.call-start
scs
__scs_entry_jumppad:
0x0: {  	(pc) =	sbr.rel $0x88, $3  }
0x1: {  	(tag) =	ssettag $0x0;
	lr =	simm.s32 $0x1  }
0x2: {  	[smem:$0x3F98] =	sst lr;
	_ =	strace $0xD0000000  }
0x3: {  	_ = 	snop  }
0x4: {  	_ = 	snop  }
0x5: {  	_ = 	snop  }
0x6: {  	_ = 	snop  }
0x7: {  	_ = 	snop  }
__scs_overlays_trampoline_lowered:
0x8: {  	[smem:$0x3FA7] =	sst s0  }
0x9: {  	[smem:$0x3FA8] =	sst s1  }
0xa: {  	[smem:$0x3FA9] =	sst s2  }
0xb: {  	[smem:$0x3FAA] =	sst s3  }
0xc: {  	[smem:$0x3FAB] =	sst s4  }
0xd: {  	[smem:$0x3FAC] =	sst s5  }
0xe: {  	[smem:$0x3FAD] =	sst s6  }
0xf: {  	[smem:$0x3FAE] =	sst s7  }
0x10: {  	[smem:$0x3FAF] =	sst s8  }
0x11: {  	[smem:$0x3FB0] =	sst s9;
	s0 =	simm.s32 @!p0 $0x0  }
0x12: {  	s1 =	sld [smem:$0x3F96];
	s0 =	simm.s32 @p0 $0x1  }
0x13: {  	[smem:$0x3FB1] =	sst s0;
	s0 =	simm.s32 @!p1 $0x0  }
0x14: {  	s2 =	sld [smem:$0x3F95];
	s0 =	simm.s32 @p1 $0x1  }
0x15: {  	[smem:$0x3FB2] =	sst s0;
	s0 =	simm.s32 @!p2 $0x0  }
0x16: {  	s3 =	sld [smem:$0x3FDB];
	s0 =	simm.s32 @p2 $0x1  }
0x17: {  	s4 =	simm.s32 $0x1BF5;
	[smem:$0x3FB4] =	sst s0  }
0x18: {  	s0 =	sld [smem:$0x3F97];
	_ =	swait.ge [sflag:s4], $0x0  }
0x19: {  	s7 =	sld [smem:$0x3F98]  }
0x1a: {  	s8 =	sadd.s32 $0xFFFFE003, lr  }
0x1b: {  	s9 =	sadd.s32 $0xFFFFFEF7, lr;
	s5 =	simm.s32 $0xFFFFFFFF;
	p2 =	slt.u32 s8, $0xFFFFF086  }
0x1c: {  	p1 =	slt.u32 s9, $0xF7A;
	s5 =	simm.s32 @!p2 $0x0  }
0x1d: {  	s5 =	simm.s32 @p1 $0x1;
	p0 =	seq.s32 s7, s2  }
0x1e: {  	s7 =	smul.u32 @!p0 $0xF7A, s2;
	p2 =	seq.s32 @!p0 s5, $0x0  }
0x1f: {  	s9 =	smul.u32 $0xF7A, s1;
	s8 =	simm.s32 @!p0 $0x1BF5;
	p2 =	por !p2, p0  }
0x20: {  	[sflag:s8] =	ssyncset.s32 @!p0 $0xFFFFF086;
	s6 =	sadd.s32 @!p0 s3, s7;
	s7 =	simm.s32 @!p0 $0x108  }
0x21: {  	s3 =	sadd.s32 s3, s9;
	s6 =	sadd.s32 @!p0 $0x88, s6;
	s7 =	simm.s32 @p2 $0x1082  }
0x22: {  	[simem:s7], [sflag:s8] =	dma.local @!p0 [hbm:s6], $0xF7A  }
0x23: {  	s9 =	sor.u32 $0xD0000000, s2;
	s6 =	simm.s32 $0x108;
	_ =	swait.ge @!p0 [sflag:s8], $0x0  }
0x24: {  	s3 =	sadd.s32 $0x88, s3;
	s6 =	simm.s32 @!p1 $0x1082;
	[sflag:s4] =	ssyncset.s32 $0xFFFFF086  }
0x25: {  	[simem:s6], [sflag:s4] =	dma.local [hbm:s3], $0xF7A  }
0x26: {  	[smem:$0x3F98] =	sst s1;
	(tag) =	ssettag s2;
	_ =	strace s9  }
0x27: {  	s1 =	sld [smem:$0x3FA8]  }
0x28: {  	s2 =	sld [smem:$0x3FA9]  }
0x29: {  	s4 =	sld [smem:$0x3FAB]  }
0x2a: {  	p0 =	seq.s32 s5, $0x0;
	s5 =	sld [smem:$0x3FAC]  }
0x2b: {  	s6 =	sld [smem:$0x3FAD]  }
0x2c: {  	s7 =	sld [smem:$0x3FAE]  }
0x2d: {  	s3 =	simm.s32 $0x108;
	s8 =	sld [smem:$0x3FAF]  }
0x2e: {  	s3 =	simm.s32 @!p0 $0x1082;
	s9 =	sld [smem:$0x3FB0]  }
0x2f: {  	lr =	sadd.s32 s0, s3;
	s0 =	sld [smem:$0x3FA7]  }
0x30: {  	s3 =	sld [smem:$0x3FAA]  }
0x31: {  	[smem:$0x3FB3] =	sst s10  }
0x32: {  	s10 =	sld [smem:$0x3FB1];
	_ =	sdelay $0x3  }
0x33: {  	p0 =	seq.s32 s10, $0x1;
	s10 =	sld [smem:$0x3FB3];
	_ =	sdelay $0x3  }
0x34: {  	[smem:$0x3FB3] =	sst s10  }
0x35: {  	s10 =	sld [smem:$0x3FB2];
	_ =	sdelay $0x3  }
0x36: {  	p1 =	seq.s32 s10, $0x1;
	s10 =	sld [smem:$0x3FB3];
	_ =	sdelay $0x3  }
0x37: {  	[smem:$0x3FB3] =	sst s10  }
0x38: {  	s10 =	sld [smem:$0x3FB4]  }
0x39: {  	_ = 	snop;
	(pc) =	sbr.ind lr, $3  }
0x3a: {  	_ = 	snop  }
0x3b: {  	_ = 	snop  }
0x3c: {  	p2 =	seq.s32 s10, $0x1;
	s10 =	sld [smem:$0x3FB3]  }
0x3d: {  	_ =	shalt  }
0x3e: {  	_ =	shalt  }
0x3f: {  	_ =	shalt  }
0x40: {  	_ =	shalt  }
0x41: {  	_ =	shalt  }
0x42: {  	_ =	shalt  }
0x43: {  	_ =	shalt  }
0x44: {  	_ =	shalt  }
0x45: {  	_ =	shalt  }
0x46: {  	_ =	shalt  }
0x47: {  	_ =	shalt  }
0x48: {  	_ =	shalt  }
0x49: {  	_ =	shalt  }
0x4a: {  	_ =	shalt  }
0x4b: {  	_ =	shalt  }
0x4c: {  	_ =	shalt  }
0x4d: {  	_ =	shalt  }
0x4e: {  	_ =	shalt  }
0x4f: {  	_ =	shalt  }
0x50: {  	_ =	shalt  }
0x51: {  	_ =	shalt  }
0x52: {  	_ =	shalt  }
0x53: {  	_ =	shalt  }
0x54: {  	_ =	shalt  }
0x55: {  	_ =	shalt  }
0x56: {  	_ =	shalt  }
0x57: {  	_ =	shalt  }
0x58: {  	_ =	shalt  }
0x59: {  	_ =	shalt  }
0x5a: {  	_ =	shalt  }
0x5b: {  	_ =	shalt  }
0x5c: {  	_ =	shalt  }
0x5d: {  	_ =	shalt  }
0x5e: {  	_ =	shalt  }
0x5f: {  	_ =	shalt  }
0x60: {  	_ =	shalt  }
0x61: {  	_ =	shalt  }
0x62: {  	_ =	shalt  }
0x63: {  	_ =	shalt  }
0x64: {  	_ =	shalt  }
0x65: {  	_ =	shalt  }
0x66: {  	_ =	shalt  }
0x67: {  	_ =	shalt  }
0x68: {  	_ =	shalt  }
0x69: {  	_ =	shalt  }
0x6a: {  	_ =	shalt  }
0x6b: {  	_ =	shalt  }
0x6c: {  	_ =	shalt  }
0x6d: {  	_ =	shalt  }
0x6e: {  	_ =	shalt  }
0x6f: {  	_ =	shalt  }
0x70: {  	_ =	shalt  }
0x71: {  	_ =	shalt  }
0x72: {  	_ =	shalt  }
0x73: {  	_ =	shalt  }
0x74: {  	_ =	shalt  }
0x75: {  	_ =	shalt  }
0x76: {  	_ =	shalt  }
0x77: {  	_ =	shalt  }
0x78: {  	_ =	shalt  }
0x79: {  	_ =	shalt  }
0x7a: {  	_ =	shalt  }
0x7b: {  	_ =	shalt  }
0x7c: {  	_ =	shalt  }
0x7d: {  	_ =	shalt  }
0x7e: {  	_ =	shalt  }
0x7f: {  	_ =	shalt  }
0x80: {  	_ =	shalt  }
0x81: {  	_ =	shalt  }
0x82: {  	_ =	shalt  }
0x83: {  	_ =	shalt  }
0x84: {  	_ =	shalt  }
0x85: {  	_ =	shalt  }
0x86: {  	_ =	shalt  }
0x87: {  	_ =	shalt  }
.Lfunc_end0:
.L_simem_size_0:
called_computation_lowered:
.L_overlay_start_0:
0x88: {  	s2 =	sld [smem:$0x3FD9]  }
0x89: {  	s3 =	sld [smem:$0x3FFE];
	_ =	sdelay $0x1  }
0x8a: {  	s1 =	srdreg.scid  }
0x8b: {  	s0 =	sand.u32 $0x1, s1  }
0x8c: {  	s17 =	sshll.u32 s0, $0xA;
	s2 =	sadd.s32 s3, s2  }
0x8d: {  	s2 =	sadd.s32 s2, s17  }
0x8e: {  	[smem:$0x3FBF] =	sst s2  }
0x8f: {  	_ = 	snop  }
0x90: {  	s2 =	sld [smem:$0x3FC8]  }
0x91: {  	s18 =	sld [smem:$0x3FD0];
	(tm) =	ssettm $0x1  }
0x92: {  	s4 =	sld [smem:$0x3FFB];
	_ =	sdelay $0x3  }
0x93: {  	_ =	strace s4  }
0x94: {  	s4 =	sld [smem:$0x3FFC];
	_ =	sdelay $0x3  }
0x95: {  	_ =	strace s4  }
0x96: {  	s4 =	sld [smem:$0x3FFD];
	_ =	sdelay $0x3  }
0x97: {  	_ =	strace s4  }
0x98: {  	_ =	strace $0x8FFFFFFF  }
0x99: {  	s19 =	sld [smem:$0x3FDB];
	_ =	sdelay $0x1  }
0x9a: {  	s5 =	simm.s32 $_scs_section_size  }
0x9b: {  	s6 =	simm.s32 $_size__tile_overlayer_lowered;
	s7 =	simm.s32 $_tile_overlayer_lowered  }
0x9c: {  	s22 =	simm.s32 $0x1BFF;
	s21 =	sshll.u32 s7, $0x1;
	s4 =	sadd.s32 s5, s19  }
0x9d: {  	s8 =	simm.s32 $0x0;
	s20 =	sshll.u32 s6, $0x1;
	s6 =	sadd.s32 s21, s4  }
0x9e: {  	[timem:s8], [sflag:s22] =	dma.local [hbm:s6], s20  }
0x9f: {  	_ =	swait.ge [sflag:s22], s20  }
0xa0: {  	s5 =	ssub.s32 $0x0, s20;
	[sflag:s22] =	ssyncset.done $0x0  }
0xa1: {  	[sflag:s22] =	ssyncadd.s32 s5;
	_ =	sdelay $0x1  }
0xa2: {  	s23 =	simm.s32 $0x1B8B  }
0xa3: {  	_ =	swait.ge [sflag:s23], $0x1  }
0xa4: {  	[sflag:s23] =	ssyncset.done $0x0  }
0xa5: {  	s25 =	simm.s32 $0x1B8E;
	s24 =	sld [smem:$0x3FFE];
	[sflag:s23] =	ssyncadd.s32 $0xFFFFFFFF  }
0xa6: {  	s26 =	simm.s32 $execute0_lowered;
	[smem:$0x3FD2] =	sst s25  }
0xa7: {  	s6 =	sshll.u32 s26, $0x1;
	_ =	strace $0x80000046;
	[dreg:$0x1] =	wrdreg $0xFFFFFFFF  }
0xa8: {  	s28 =	simm.s32 $_size_execute0_lowered;
	s4 =	sadd.s32 s4, s6;
	[dreg:$0x0] =	wrdreg $0x0  }
0xa9: {  	s6 =	sshll.u32 s28, $0x1;
	[dreg:$0x2] =	wrdreg s4  }
0xaa: {  	[dreg:$0x3] =	wrdreg s6  }
0xab: {  	[dreg:$0x4] =	wrdreg $0xC0  }
0xac: {  	_ =	task [dreg:s8], $0x5FFFF  }
0xad: {  	[dreg:$0x1] =	wrdreg $0xFFFFFFFF  }
0xae: {  	[dreg:$0x0] =	wrdreg $0x60  }
0xaf: {  	[dreg:$0x2] =	wrdreg s18  }
0xb0: {  	[dreg:$0x3] =	wrdreg s2  }
0xb1: {  	[dreg:$0x4] =	wrdreg s24  }
0xb2: {  	[dreg:$0x5] =	wrdreg $0x9  }
0xb3: {  	_ =	task.clear_ibuf [dreg:s8], $0x6FFFF;
	_ =	strace $0x90000046  }
0xb4: {  	s29 =	simm.s32 $0x9;
	_ =	strace $0x80000048  }
0xb5: {  	_ =	swait.ge [sflag:s29], $0x1  }
0xb6: {  	[sflag:s29] =	ssyncadd.s32 $0xFFFFFFFF  }
0xb7: {  	_ =	strace $0x90000048  }
0xb8: {  	_ =	sfence  }
0xb9: {  	s30 =	sld [smem:$0x0];
	_ =	sdelay $0x2  }
0xba: {  	s31 =	sshll.u32 s1, $0xD;
	s1 =	sshrl.u32 s1, $0x2  }
0xbb: {  	s3 =	sand.u32 $0x4000, s31;
	s1 =	sadd.s32 s1, s30  }
0xbc: {  	s0 =	sor.u32 s3, s0;
	s1 =	sshll.u32 s1, $0x11  }
0xbd: {  	s0 =	sor.u32 s1, s0  }
0xbe: {  	s0 =	sadd.s32 $0x8F2B, s0  }
0xbf: {  	[sflag:s0] =	ssyncadd.remote.s32 $0x1  }
0xc0: {  	_ =	sfence.sel $0xFFFF  }
0xc1: {  	[dreg:$0x0] =	wrdreg $0xFFFFFFFF;
	(pc) =	sbr.abs _section_cstart, $3  }
0xc2: {  	[dreg:$0x1] =	wrdreg $0xFFFFFFFF  }
0xc3: {  	_ =	task.clear_ibuf [dreg:s8], $0x2FFFF;
	_ =	strace $0x9FFFFFFF  }
0xc4: {  	(tm) =	ssettm $0x7FFFFFFF  }
0xc5: {  	_ =	shalt  }
tec
execute0_lowered:
.L_overlay_start_1:
0x0: {  	(tag) =	ssettag $0x1  }
0x1: {  	s0 =	rddreg [dreg:$0x0]  }
0x2: {  	s1 =	srdreg.scid;
	s2 =	rddreg [dreg:$0x1]  }
0x3: {  	s3 =	rddreg [dreg:$0x2];
	s1 =	sand.u32 $0x1, s1  }
0x4: {  	s4 =	stileid.u32;
	s5 =	simm.s32 $0x0;
	p0 =	seq.s32 s1, $0x1  }
0x5: {  	[smem:$0x7FF] =	sst s5;
	p1 =	sgt.u32 @!p0 s4, $0x3  }
0x6: {  	s1 =	rddreg [dreg:$0x3];
	p0 =	por p1, p0  }
0x7: {  	_ =	strace $0x80000047;
	s0 =	sadd.s32 @!p0 s0, s4;
	s5 =	simm.s32 @!p0 $0x0  }
0x8: {  	[tilespmem:s5], [sflag:$0x2] =	stream.linear.gather @!p0 [hbm4b:s0+s5], $0x8, $0x38;
	[tilespmem:$0x1880] =	vst v63  }
0x9: {  	s0 =	simm.s32 @!p0 $0x2  }
0xa: {  	_ =	swait.ge @!p0 [sflag:s0], $0x8  }
0xb: {  	[sflag:s0] =	ssyncset.done @!p0 $0x0  }
0xc: {  	[sflag:s0] =	ssyncadd.s32 @!p0 $0xFFFFFFF8  }
0xd: {  	v0 =	vld.msk @!p0 [tilespmem:$0x0], $0xff;
	_ =	sdelay $0x4  }
0xe: {  	v1 =	vshrl.u32 @!p0 v0, $0x3  }
0xf: {  	v1 =	vmul.u32 @!p0 $0x30, v1  }
0x10: {  	v2 =	vlaneseq.u32 @!p0;
	v0 =	vand.u32 @!p0 $0x7, v0  }
0x11: {  	v0 =	vor.u32 @!p0 v0, v1;
	v1 =	vand.u32 @!p0 $0x7, v2;
	v2 =	vshrl.u32 @!p0 v2, $0x3  }
0x12: {  	v0 =	vperm.xlane @!p0 v0, v1;
	v1 =	vmul.u32 @!p0 $0x8, v2;
	_ =	sdelay $0x1  }
0x13: {  	v0 =	vadd.s32 @!p0 v1, v0;
	_ =	sdelay $0x3  }
0x14: {  	vm0 =	vmmov @!p0 $0xffff;
	s6 =	simm.s32 @!p0 $0x80  }
0x15: {  	[tilespmem:s6], [sflag:$0x1] =	stream.indirect_vreg.gather @!p0 [hbm4b:s2+s5], $0x80, v0, vm0, $0xb8;
	[tilespmem:$0x1880] =	vst v63  }
0x16: {  	s7 =	sadd.s32 @!p0 $0x100, s2;
	s8 =	simm.s32 @!p0 $0x880  }
0x17: {  	[tilespmem:s8], [sflag:$0x1] =	stream.indirect_vreg.gather @!p0 [hbm4b:s7+s5], $0x80, v0, vm0, $0xb8;
	[tilespmem:$0x1880] =	vst v63  }
0x18: {  	s2 =	sadd.s32 @!p0 $0x200, s2;
	s7 =	simm.s32 @!p0 $0x1080  }
0x19: {  	[tilespmem:s7], [sflag:$0x1] =	stream.indirect_vreg.gather @!p0 [hbm4b:s2+s5], $0x80, v0, vm0, $0xb8;
	[tilespmem:$0x1880] =	vst v63  }
0x1a: {  	s2 =	simm.s32 @!p0 $0x1  }
0x1b: {  	s7 =	smul.u32 @!p0 $0x300, s4;
	_ =	swait.ge @!p0 [sflag:s2], $0x1800  }
0x1c: {  	s3 =	sadd.s32 $0x1400, s3;
	[sflag:s2] =	ssyncset.done @!p0 $0x0  }
0x1d: {  	s3 =	sadd.s32 @!p0 s3, s7;
	[sflag:s2] =	ssyncadd.s32 @!p0 $0xFFFFE800  }
0x1e: {  	[hbm4b:s3+s5] =	stream.linear.scatter @!p0 [tilespmem:s6], [sflag:$0x2], $0x1800, $0x38;
	[tilespmem:$0x1880] =	vst v63  }
0x1f: {  	_ =	swait.ge @!p0 [sflag:s0], $0x1800  }
0x20: {  	[sflag:s0] =	ssyncset.done @!p0 $0x0  }
0x21: {  	[sflag:s0] =	ssyncadd.s32 @!p0 $0xFFFFE800  }
0x22: {  	_ =	sfence.sel $0x180000  }
0x23: {  	[bflag:$0x0] =	sbarrier.arrive $0xFFFF  }
0x24: {  	p0 =	sne.s32 s4, $0x0;
	_ =	strace $0x90000047  }
0x25: {  	s0 =	sadd.s32 @!p0 $0x100000, s1;
	[bflag:$0x2] =	sbarrier.arrive $0xFFFF  }
0x26: {  	[sflag:s0] =	ssyncadd.tile.s32 @!p0 $0x1;
	_ =	shalt  }
.Lfunc_end2:
_tile_overlayer_lowered:
.L_overlay_start_2:
0x27: {  	(tag) =	ssettag $0x2  }
0x28: {  	s0 =	rddreg [dreg:$0x0];
	s2 =	stileid.u32  }
0x29: {  	s1 =	rddreg [dreg:$0x1];
	p0 =	sne.s32 s2, $0x0  }
0x2a: {  	s3 =	rddreg [dreg:$0x2];
	[bflag:$0x3] =	sbarrier.arrive $0xFFFF;
	s2 =	simm.s32 @!p0 $0x1C02  }
0x2b: {  	[timem:s3], [sflag:s2] =	dma.local @!p0 [hbm:s0], s1  }
0x2c: {  	s0 =	simm.s32 @!p0 $0x2  }
0x2d: {  	_ =	swait.ge @!p0 [sflag:s0], s1  }
0x2e: {  	s1 =	ssub.s32 @!p0 $0x0, s1;
	[sflag:s0] =	ssyncset.done @!p0 $0x0  }
0x2f: {  	[sflag:s0] =	ssyncadd.s32 @!p0 s1  }
0x30: {  	[bflag:$0x3] =	sbarrier.arrive $0xFFFF  }
0x31: {  	_ =	shalt  }

</sc_bundles>
